<compile_context>
chip_gen: v7x
topology: tpu7x:2x2x1
jax: 0.10.2.dev20260603
libtpu: 0.0.44.dev20260713+nightly
codegen_flags: <defaults>
</compile_context>

<pallas_src>
import functools
import math

import jax
import jax.numpy as jnp
from jax import lax
from jax.experimental import pallas as pl
from jax.experimental.pallas import tpu as pltpu
from jax.experimental.pallas import tpu_sc as plsc

_TOP_K = 5
_W1, _W2, _W3 = 0.5, 0.3, 0.2
_EPS = 1e-12
_NEG = -1e30
_IMAX = 2**31 - 1

_KB = 2048
_KB1 = 3072
_CB = 1024


def _normalize(x):
    n = jnp.sqrt(jnp.sum(x * x, axis=-1, keepdims=True))
    return x / jnp.maximum(n, 1e-12)


def _top1(vals, ids):
    v = jnp.max(vals, axis=-1, keepdims=True)
    cand = jnp.where(vals >= v, ids, _IMAX)
    ix = jnp.min(cand, axis=-1, keepdims=True)
    return v, ix


def _pass1_body(q_ref, k_ref, m_o, s_o, r2_o, cand_o,
                m_s, l_s, r2_s, bm_s, *, kb, nkb, kk):
    i = pl.program_id(0)
    n = q_ref.shape[0]

    @pl.when(i == 0)
    def _init():
        m_s[...] = jnp.full_like(m_s[...], _NEG)
        l_s[...] = jnp.zeros_like(l_s[...])
        r2_s[...] = jnp.full_like(r2_s[...], _NEG)
        bm_s[...] = jnp.full_like(bm_s[...], _NEG)

    qn = _normalize(q_ref[...])
    k = k_ref[...]
    rows_left = kk - i * kb
    rmask = lax.broadcasted_iota(jnp.int32, (kb, 1), 0) < rows_left
    k = jnp.where(rmask, k, 0.0)
    kn = _normalize(k)
    s = lax.dot_general(qn, kn, (((1,), (1,)), ((), ())),
                        preferred_element_type=jnp.float32)
    col = lax.broadcasted_iota(jnp.int32, (n, kb), 1) + i * kb
    s = jnp.where(col < kk, s, _NEG)

    nsub = kb // _CB
    bms = [jnp.max(s[:, j * _CB:(j + 1) * _CB], axis=-1, keepdims=True)
           for j in range(nsub)]
    lane = lax.broadcasted_iota(jnp.int32, (n, 128), 1)
    bm = bm_s[...]
    for j in range(nsub):
        bm = jnp.where(lane == nsub * i + j,
                       jnp.broadcast_to(bms[j], bm.shape), bm)
    bm_s[...] = bm

    m_old = m_s[...][:, :1]
    bmax = bms[0]
    for j in range(1, nsub):
        bmax = jnp.maximum(bmax, bms[j])
    m_new = jnp.maximum(m_old, bmax)
    alpha = jnp.exp(m_old - m_new)
    p = jnp.exp(s - m_new)
    l_new = l_s[...][:, :1] * alpha + jnp.sum(p, axis=-1, keepdims=True)

    m_s[...] = jnp.broadcast_to(m_new, m_s.shape)
    l_s[...] = jnp.broadcast_to(l_new, l_s.shape)

    eq = s >= bmax
    v2m = jnp.max(jnp.where(eq, _NEG, s), axis=-1, keepdims=True)
    cnt = jnp.sum(jnp.where(eq, 1.0, 0.0), axis=-1, keepdims=True)
    v2b = jnp.where(cnt > 1.0, bmax, v2m)
    r2_old = r2_s[...][:, :1]
    r2_new = jnp.maximum(jnp.minimum(m_old, bmax), jnp.maximum(r2_old, v2b))
    r2_s[...] = jnp.broadcast_to(r2_new, r2_s.shape)

    @pl.when(i == nkb - 1)
    def _fin():
        m_o[...] = jnp.broadcast_to(m_new, m_o.shape)
        s_o[...] = jnp.broadcast_to(l_new, s_o.shape)
        r2_o[...] = jnp.broadcast_to(r2_new, r2_o.shape)

        bvals = bm_s[...]
        bids = lane
        sel = []
        for _ in range(_TOP_K):
            _, ix = _top1(bvals, bids)
            sel.append(ix)
            bvals = jnp.where(bids == ix, _NEG, bvals)
        cand = jnp.zeros((n, 128), jnp.int32)
        for j in range(_TOP_K):
            cand = jnp.where(lane == j, jnp.broadcast_to(sel[j], (n, 128)),
                             cand)
        cand_o[...] = cand


def _pass2_body(q_ref, k_ref, m_ref, s_ref, r2_ref, attn_o, msem_o, conf_o,
                t_s, acc_s, *, kb, nkb, kk):
    i = pl.program_id(0)
    n = q_ref.shape[0]

    @pl.when(i == 0)
    def _init():
        t_s[...] = jnp.zeros_like(t_s[...])
        acc_s[...] = jnp.zeros_like(acc_s[...])

    qn = _normalize(q_ref[...])
    k = k_ref[...]
    rows_left = kk - i * kb
    rmask = lax.broadcasted_iota(jnp.int32, (kb, 1), 0) < rows_left
    k = jnp.where(rmask, k, 0.0)
    kn = _normalize(k)
    s = lax.dot_general(qn, kn, (((1,), (1,)), ((), ())),
                        preferred_element_type=jnp.float32)
    col = lax.broadcasted_iota(jnp.int32, (n, kb), 1) + i * kb
    s = jnp.where(col < kk, s, _NEG)
    m = m_ref[...][:, :1]
    big_s = jnp.maximum(s_ref[...][:, :1], 1e-30)
    recip = 1.0 / big_s
    e = jnp.exp(s - m)
    attn_o[...] = e * recip
    t_new = t_s[...][:, :1] + jnp.sum(e * s, axis=-1, keepdims=True)
    acc_new = acc_s[...] + lax.dot_general(
        e, kn, (((1,), (0,)), ((), ())), preferred_element_type=jnp.float32)
    t_s[...] = jnp.broadcast_to(t_new, t_s.shape)
    acc_s[...] = acc_new

    @pl.when(i == nkb - 1)
    def _fin():
        msem_o[...] = acc_new * recip
        max_attn = recip
        entropy = m + jnp.log(big_s) - t_new * recip
        max_entropy = math.log(kk + _EPS)
        norm_ent = jnp.clip(entropy / (max_entropy + _EPS), 0.0, 1.0)
        gap = (1.0 - jnp.exp(r2_ref[...][:, :1] - m)) * recip
        conf = jnp.clip(_W1 * max_attn + _W2 * (1.0 - norm_ent) + _W3 * gap,
                        0.0, 1.0)
        conf_o[...] = jnp.broadcast_to(conf, conf_o.shape)


def _pass3_body(cv_ref, cand_ref, tail_ref, topk_o, *, kk):
    n = cv_ref.shape[0]
    w = cv_ref.shape[1]
    c = lax.broadcasted_iota(jnp.int32, (n, w), 1)
    cb = c // _CB
    cw = c - cb * _CB
    cand_sel = jnp.zeros((n, w), jnp.int32)
    for j in range(_TOP_K):
        cand_sel = jnp.where(
            cb == j, jnp.broadcast_to(cand_ref[...][:, j:j + 1], (n, w)),
            cand_sel)
    clamp = ((kk - _CB) // 128) * 128
    cand_sel = jnp.clip(cand_sel, 0, kk // _CB)
    gid = jnp.minimum(cand_sel * _CB, clamp) + cw
    vals = cv_ref[...]
    lane = lax.broadcasted_iota(jnp.int32, (n, 128), 1)
    tcol = (kk - 1) // 128
    tgid = tcol * 128 + lane
    tvals = jnp.where(tgid < kk, tail_ref[...], _NEG)
    vals = jnp.concatenate([vals, tvals], axis=1)
    gid = jnp.concatenate([gid, tgid], axis=1)
    out = jnp.zeros((n, 128), jnp.int32)
    for j in range(_TOP_K):
        _, ix = _top1(vals, gid)
        out = jnp.where(lane == j, jnp.broadcast_to(ix, (n, 128)), out)
        vals = jnp.where(gid == ix, _NEG, vals)
    topk_o[...] = out


def _sc_gather(cand, attn, n, kk):
    info = plsc.get_sparse_core_info()
    nw = info.num_cores * info.num_subcores
    rows_per_w = n // nw
    mesh = plsc.VectorSubcoreMesh(core_axis_name="c", subcore_axis_name="s")
    cand3 = cand.reshape(n, 1, 128)

    clamp = ((kk - _CB) // 128) * 128

    @functools.partial(
        pl.kernel, mesh=mesh,
        out_type=jax.ShapeDtypeStruct((n, _TOP_K, _CB), jnp.float32),
        scratch_types=[
            pltpu.VMEM((rows_per_w, 1, 128), jnp.int32),
            pltpu.VMEM((_TOP_K, 8, _CB), jnp.float32),
            pltpu.VMEM((_TOP_K, 8, _CB), jnp.float32),
            pltpu.VMEM((_TOP_K, _CB), jnp.float32),
            pltpu.SemaphoreType.DMA,
            pltpu.SemaphoreType.DMA,
        ],
    )
    def k(cand_hbm, attn_hbm, out_hbm, cand_v, vals_a, vals_b, row_v,
          sem_a, sem_b):
        wid = lax.axis_index("s") * info.num_cores + lax.axis_index("c")
        base = wid * rows_per_w
        pltpu.sync_copy(cand_hbm.at[pl.ds(base, rows_per_w)], cand_v)

        def start_row(t, buf, sem):
            r = base + t
            g8 = pl.multiple_of((r // 8) * 8, 8)
            cvec = jnp.maximum(cand_v[t, 0, pl.ds(0, 16)], 0)
            for j in range(_TOP_K):
                start = pl.multiple_of(
                    jnp.minimum(jnp.minimum(cvec[j], kk // _CB) * _CB, clamp),
                    128)
                pltpu.make_async_copy(
                    attn_hbm.at[pl.ds(g8, 8), pl.ds(start, _CB)],
                    buf.at[j], sem).start()

        def wait_row(buf, sem):
            for j in range(_TOP_K):
                pltpu.make_async_copy(
                    attn_hbm.at[pl.ds(0, 8), pl.ds(0, _CB)],
                    buf.at[j], sem).wait()

        def finish_row(t, buf):
            r = base + t
            rm8 = r - (r // 8) * 8

            def extract(i, _):
                for j in range(_TOP_K):
                    row_v[j, pl.ds(i * 16, 16)] = buf[j, rm8,
                                                      pl.ds(i * 16, 16)]
                return _

            lax.fori_loop(0, _CB // 16, extract, 0)
            pltpu.sync_copy(row_v, out_hbm.at[r])

        start_row(0, vals_a, sem_a)

        def body(h, carry):
            t0 = 2 * h
            start_row(t0 + 1, vals_b, sem_b)
            wait_row(vals_a, sem_a)
            finish_row(t0, vals_a)

            @pl.when(t0 + 2 < rows_per_w)
            def _refill():
                start_row(t0 + 2, vals_a, sem_a)

            wait_row(vals_b, sem_b)
            finish_row(t0 + 1, vals_b)
            return carry

        lax.fori_loop(0, rows_per_w // 2, body, 0)

    return k(cand3, attn)


def kernel(query, keys):
    n, d = query.shape
    kk = keys.shape[0]
    nkb = pl.cdiv(kk, _KB)
    kb1 = _KB1
    nkb1 = pl.cdiv(kk, kb1)

    p1 = pl.pallas_call(
        functools.partial(_pass1_body, kb=kb1, nkb=nkb1, kk=kk),
        grid=(nkb1,),
        in_specs=[
            pl.BlockSpec((n, d), lambda i: (0, 0)),
            pl.BlockSpec((kb1, d), lambda i: (i, 0)),
        ],
        out_specs=[
            pl.BlockSpec((n, 128), lambda i: (0, 0)),
            pl.BlockSpec((n, 128), lambda i: (0, 0)),
            pl.BlockSpec((n, 128), lambda i: (0, 0)),
            pl.BlockSpec((n, 128), lambda i: (0, 0)),
        ],
        out_shape=[
            jax.ShapeDtypeStruct((n, 128), jnp.float32),
            jax.ShapeDtypeStruct((n, 128), jnp.float32),
            jax.ShapeDtypeStruct((n, 128), jnp.float32),
            jax.ShapeDtypeStruct((n, 128), jnp.int32),
        ],
        scratch_shapes=[
            pltpu.VMEM((n, 128), jnp.float32),
            pltpu.VMEM((n, 128), jnp.float32),
            pltpu.VMEM((n, 128), jnp.float32),
            pltpu.VMEM((n, 128), jnp.float32),
        ],
    )
    m_row, s_row, r2_row, cand_r = p1(query, keys)

    attn, m_sem, conf_r = pl.pallas_call(
        functools.partial(_pass2_body, kb=_KB, nkb=nkb, kk=kk),
        grid=(nkb,),
        in_specs=[
            pl.BlockSpec((n, d), lambda i: (0, 0)),
            pl.BlockSpec((_KB, d), lambda i: (i, 0)),
            pl.BlockSpec((n, 128), lambda i: (0, 0)),
            pl.BlockSpec((n, 128), lambda i: (0, 0)),
            pl.BlockSpec((n, 128), lambda i: (0, 0)),
        ],
        out_specs=[
            pl.BlockSpec((n, _KB), lambda i: (0, i)),
            pl.BlockSpec((n, d), lambda i: (0, 0)),
            pl.BlockSpec((n, 128), lambda i: (0, 0)),
        ],
        out_shape=[
            jax.ShapeDtypeStruct((n, kk), jnp.float32),
            jax.ShapeDtypeStruct((n, d), jnp.float32),
            jax.ShapeDtypeStruct((n, 128), jnp.float32),
        ],
        scratch_shapes=[
            pltpu.VMEM((n, 128), jnp.float32),
            pltpu.VMEM((n, d), jnp.float32),
        ],
    )(query, keys, m_row, s_row, r2_row)

    cand_vals = _sc_gather(cand_r, attn, n, kk).reshape(n, _TOP_K * _CB)

    rb = 128
    tcol = (kk - 1) // 128
    topk_r = pl.pallas_call(
        functools.partial(_pass3_body, kk=kk),
        grid=(n // rb,),
        in_specs=[
            pl.BlockSpec((rb, _TOP_K * _CB), lambda i: (i, 0)),
            pl.BlockSpec((rb, 128), lambda i: (i, 0)),
            pl.BlockSpec((rb, 128), lambda i: (i, tcol)),
        ],
        out_specs=pl.BlockSpec((rb, 128), lambda i: (i, 0)),
        out_shape=jax.ShapeDtypeStruct((n, 128), jnp.int32),
    )(cand_vals, cand_r, attn)

    conf = conf_r[:, 0]
    topk_idx = topk_r[:, :_TOP_K]
    return (m_sem, attn, conf, topk_idx)

# --- scband reference (transcript-rebuilt; emitter-appended) ---
"""Pipeline reference for scband-semantic-retrieval-73581379715463 (READ-ONLY COPY).

The authoritative reference and input builder live on the scoring server;
editing this copy changes nothing except your own understanding.
"""

import jax, jax.numpy as jnp
import numpy as np

TOP_K = 5
TEMPERATURE = 1.0
W1, W2, W3 = 0.5, 0.3, 0.2
EPS = 1e-12


def _normalize(x):
    n = jnp.linalg.norm(x, axis=-1, keepdims=True)
    return x / jnp.maximum(n, 1e-12)


def setup_inputs(seed: int = 0) -> dict:
    key = jax.random.key(seed)
    k1, k2 = jax.random.split(key)
    query = jax.random.normal(k1, (1024, 128), dtype=jnp.float32)
    keys = jax.random.normal(k2, (100000, 128), dtype=jnp.float32)
    return {"query": query, "keys": keys}


def reference(query, keys):
    # topk_retrieval
    q = _normalize(query)
    kk = _normalize(keys)
    logits = jnp.matmul(q, kk.T) / max(TEMPERATURE, 1e-08)
    k_eff = min(TOP_K, kk.shape[0])
    topk_scores, topk_idx = jax.lax.top_k(logits, k_eff)
    attn = jax.nn.softmax(logits, axis=-1)
    m_sem = jnp.matmul(attn, kk)
    # confidence_from_attention
    K = attn.shape[-1]
    max_attn = attn.max(axis=-1)
    entropy = -(attn * jnp.log(attn + EPS)).sum(axis=-1)
    max_entropy = np.log(K + EPS)
    norm_entropy = jnp.clip(entropy / (max_entropy + EPS), 0.0, 1.0)
    inv_entropy = 1.0 - norm_entropy
    sorted_attn = -jnp.sort(-attn, axis=-1)  # descending
    gap = sorted_attn[:, 0] - sorted_attn[:, 1]
    conf = jnp.clip(W1 * max_attn + W2 * inv_entropy + W3 * gap, 0.0, 1.0)
    return (m_sem, attn, conf, topk_idx)

if __name__ == "__main__":
    import jax
    _d = setup_inputs()
    print(jax.jit(kernel)(*tuple(_d.values())))

</pallas_src>

<mosaic_0001>
#map = affine_map<(d0, d1) -> (0, 0, 0)>
#map1 = affine_map<(d0, d1) -> (0, 0)>
module attributes {stable_mosaic.version = 14 : i64} {
  func.func @k(%arg0: i32, %arg1: i32, %arg2: memref<1024x1x128xi32, #tpu.memory_space<hbm>>, %arg3: memref<1024x100000xf32, #tpu.memory_space<hbm>>, %arg4: memref<1024x5x1024xf32, #tpu.memory_space<hbm>>, %arg5: memref<32x1x128xi32, #tpu.memory_space<vmem>>, %arg6: memref<5x8x1024xf32, #tpu.memory_space<vmem>>, %arg7: memref<5x8x1024xf32, #tpu.memory_space<vmem>>, %arg8: memref<5x1024xf32, #tpu.memory_space<vmem>>, %arg9: memref<!tpu.dma_semaphore, #tpu.memory_space<semaphore_mem>>, %arg10: memref<!tpu.dma_semaphore, #tpu.memory_space<semaphore_mem>>) attributes {dimension_semantics = [#tpu.dimension_semantics<core_parallel>, #tpu.dimension_semantics<subcore_parallel>], iteration_bounds = array<i64: 2, 16>, scalar_prefetch = 0 : i64, scratch_operands = 6 : i64, tpu.core_type = #tpu.core_type<sc_vector_subcore>, window_params = [{transform_indices = #map}, {transform_indices = #map1}, {transform_indices = #map}]} {
    %mul3A = arith.constant 2 : i32
    %mul3A_0 = arith.muli %arg1, %mul3A : i32
    %add3A = arith.addi %mul3A_0, %arg0 : i32
    %mul3A_1 = arith.constant 32 : i32
    %mul3A_2 = arith.muli %add3A, %mul3A_1 : i32
    "tpu.region"() ({
      %run_scoped3A = tpu.sem_alloc : memref<!tpu.dma_semaphore, #tpu.memory_space<semaphore_mem>>
      %dma_start3A_132 = arith.constant 0 : i32
      %dma_start3A_133 = arith.constant 0 : i32
      %dma_start3A_134 = tpu.memref_slice %arg2[%mul3A_2, %dma_start3A_132, %dma_start3A_133] : memref<1024x1x128xi32, #tpu.memory_space<hbm>> -> memref<32x1x128xi32, #tpu.memory_space<hbm>>
      %dma_start3A_135 = arith.constant 0 : i32
      %dma_start3A_136 = arith.constant 0 : i32
      %dma_start3A_137 = tpu.memref_slice %arg2[%mul3A_2, %dma_start3A_135, %dma_start3A_136] : memref<1024x1x128xi32, #tpu.memory_space<hbm>> -> memref<32x1x128xi32, #tpu.memory_space<hbm>>
      tpu.enqueue_dma source(%dma_start3A_137 : memref<32x1x128xi32, #tpu.memory_space<hbm>>) target(%arg5 : memref<32x1x128xi32, #tpu.memory_space<vmem>>) target_semaphore(%run_scoped3A : memref<!tpu.dma_semaphore, #tpu.memory_space<semaphore_mem>>)
      %dma_wait3A = arith.constant 0 : i32
      %dma_wait3A_138 = arith.constant 0 : i32
      %dma_wait3A_139 = tpu.memref_slice %arg2[%mul3A_2, %dma_wait3A, %dma_wait3A_138] : memref<1024x1x128xi32, #tpu.memory_space<hbm>> -> memref<32x1x128xi32, #tpu.memory_space<hbm>>
      %dma_wait3A_140 = arith.constant 0 : i32
      %dma_wait3A_141 = arith.constant 0 : i32
      %dma_wait3A_142 = tpu.memref_slice %arg2[%mul3A_2, %dma_wait3A_140, %dma_wait3A_141] : memref<1024x1x128xi32, #tpu.memory_space<hbm>> -> memref<32x1x128xi32, #tpu.memory_space<hbm>>
      tpu.wait_dma2 semaphore(%run_scoped3A : memref<!tpu.dma_semaphore, #tpu.memory_space<semaphore_mem>>) src(%dma_wait3A_142 : memref<32x1x128xi32, #tpu.memory_space<hbm>>) dst(%arg5 : memref<32x1x128xi32, #tpu.memory_space<vmem>>)
      tpu.yield
    }) : () -> ()
    %add3A_3 = arith.constant 0 : i32
    %add3A_4 = arith.addi %mul3A_2, %add3A_3 : i32
    %jit3A = arith.constant 8 : i32
    %div3A = arith.divsi %add3A_4, %jit3A : i32
    %sign3A = arith.constant 0 : i32
    %sign3A_5 = arith.cmpi sgt, %add3A_4, %sign3A : i32
    %sign3A_6 = arith.extui %sign3A_5 : i1 to i32
    %sign3A_7 = arith.constant 0 : i32
    %sign3A_8 = arith.cmpi slt, %add3A_4, %sign3A_7 : i32
    %sign3A_9 = arith.extui %sign3A_8 : i1 to i32
    %sign3A_10 = arith.subi %sign3A_6, %sign3A_9 : i32
    %sign3A_11 = arith.constant 0 : i32
    %sign3A_12 = arith.cmpi sgt, %jit3A, %sign3A_11 : i32
    %sign3A_13 = arith.extui %sign3A_12 : i1 to i32
    %sign3A_14 = arith.constant 0 : i32
    %sign3A_15 = arith.cmpi slt, %jit3A, %sign3A_14 : i32
    %sign3A_16 = arith.extui %sign3A_15 : i1 to i32
    %sign3A_17 = arith.subi %sign3A_13, %sign3A_16 : i32
    %ne3A = arith.cmpi ne, %sign3A_10, %sign3A_17 : i32
    %rem3A = arith.remsi %add3A_4, %jit3A : i32
    %ne3A_18 = arith.constant 0 : i32
    %ne3A_19 = arith.cmpi ne, %rem3A, %ne3A_18 : i32
    %and3A = arith.andi %ne3A, %ne3A_19 : i1
    %sub3A = arith.constant 1 : i32
    %sub3A_20 = arith.subi %div3A, %sub3A : i32
    %select_n3A = arith.select %and3A, %sub3A_20, %div3A : i32
    %mul3A_21 = arith.constant 8 : i32
    %mul3A_22 = arith.muli %select_n3A, %mul3A_21 : i32
    %multiple_of3A = tpu.assume_multiple %mul3A_22, 8 : i32
    %get3A = arith.constant 0 : i32
    %get3A_23 = arith.constant 0 : i32
    %get3A_24 = arith.index_cast %get3A : i32 to index
    %get3A_25 = arith.index_cast %get3A_23 : i32 to index
    %get3A_26 = arith.constant 0 : index
    %get3A_27 = tpu.vector_load %arg5[%get3A_24, %get3A_25, %get3A_26] {strides = array<i32>} : memref<32x1x128xi32, #tpu.memory_space<vmem>>, vector<1x1x16xi32>,
    %get3A_28 = vector.shape_cast %get3A_27 : vector<1x1x16xi32> to vector<16xi32>
    %max3A = arith.constant 0 : i32
    %max3A_29 = vector.broadcast %max3A : i32 to vector<16xi32>
    %max3A_30 = arith.maxsi %get3A_28, %max3A_29 : vector<16xi32>
    %slice3A = vector.extract_strided_slice %max3A_30 {offsets = [0], sizes = [1], strides = [1]} : vector<16xi32> to vector<1xi32>
    %squeeze3A = vector.extract %slice3A[0] : i32 from vector<1xi32>
    %min3A = arith.constant 97 : i32
    %min3A_31 = arith.minsi %squeeze3A, %min3A : i32
    %mul3A_32 = arith.constant 1024 : i32
    %mul3A_33 = arith.muli %min3A_31, %mul3A_32 : i32
    %min3A_34 = arith.constant 98944 : i32
    %min3A_35 = arith.minsi %mul3A_33, %min3A_34 : i32
    %multiple_of3A_36 = tpu.assume_multiple %min3A_35, 128 : i32
    %dma_start3A = arith.constant 0 : i32
    %dma_start3A_37 = arith.constant 0 : i32
    %dma_start3A_38 = arith.constant 0 : i32
    %dma_start3A_39 = tpu.memref_slice %arg6[%dma_start3A, %dma_start3A_37, %dma_start3A_38] : memref<5x8x1024xf32, #tpu.memory_space<vmem>> -> memref<1x8x1024xf32, #tpu.memory_space<vmem>>
    %dma_start3A_40 = tpu.memref_squeeze %dma_start3A_39 : memref<1x8x1024xf32, #tpu.memory_space<vmem>> -> memref<8x1024xf32, #tpu.memory_space<vmem>>
    %dma_start3A_41 = tpu.memref_slice %arg3[%multiple_of3A, %multiple_of3A_36] : memref<1024x100000xf32, #tpu.memory_space<hbm>> -> memref<8x1024xf32, #tpu.memory_space<hbm>>
    %dma_start3A_42 = arith.constant 0 : i32
    %dma_start3A_43 = arith.constant 0 : i32
    %dma_start3A_44 = tpu.memref_slice %arg6[%dma_start3A, %dma_start3A_42, %dma_start3A_43] : memref<5x8x1024xf32, #tpu.memory_space<vmem>> -> memref<1x8x1024xf32, #tpu.memory_space<vmem>>
    %dma_start3A_45 = tpu.memref_squeeze %dma_start3A_44 : memref<1x8x1024xf32, #tpu.memory_space<vmem>> -> memref<8x1024xf32, #tpu.memory_space<vmem>>
    %dma_start3A_46 = tpu.memref_slice %arg3[%multiple_of3A, %multiple_of3A_36] : memref<1024x100000xf32, #tpu.memory_space<hbm>> -> memref<8x1024xf32, #tpu.memory_space<hbm>>
    tpu.enqueue_dma source(%dma_start3A_46 : memref<8x1024xf32, #tpu.memory_space<hbm>>) target(%dma_start3A_45 : memref<8x1024xf32, #tpu.memory_space<vmem>>) target_semaphore(%arg9 : memref<!tpu.dma_semaphore, #tpu.memory_space<semaphore_mem>>)
    %slice3A_47 = vector.extract_strided_slice %max3A_30 {offsets = [1], sizes = [1], strides = [1]} : vector<16xi32> to vector<1xi32>
    %squeeze3A_48 = vector.extract %slice3A_47[0] : i32 from vector<1xi32>
    %min3A_49 = arith.constant 97 : i32
    %min3A_50 = arith.minsi %squeeze3A_48, %min3A_49 : i32
    %mul3A_51 = arith.constant 1024 : i32
    %mul3A_52 = arith.muli %min3A_50, %mul3A_51 : i32
    %min3A_53 = arith.constant 98944 : i32
    %min3A_54 = arith.minsi %mul3A_52, %min3A_53 : i32
    %multiple_of3A_55 = tpu.assume_multiple %min3A_54, 128 : i32
    %dma_start3A_56 = arith.constant 1 : i32
    %dma_start3A_57 = arith.constant 0 : i32
    %dma_start3A_58 = arith.constant 0 : i32
    %dma_start3A_59 = tpu.memref_slice %arg6[%dma_start3A_56, %dma_start3A_57, %dma_start3A_58] : memref<5x8x1024xf32, #tpu.memory_space<vmem>> -> memref<1x8x1024xf32, #tpu.memory_space<vmem>>
    %dma_start3A_60 = tpu.memref_squeeze %dma_start3A_59 : memref<1x8x1024xf32, #tpu.memory_space<vmem>> -> memref<8x1024xf32, #tpu.memory_space<vmem>>
    %dma_start3A_61 = tpu.memref_slice %arg3[%multiple_of3A, %multiple_of3A_55] : memref<1024x100000xf32, #tpu.memory_space<hbm>> -> memref<8x1024xf32, #tpu.memory_space<hbm>>
    %dma_start3A_62 = arith.constant 0 : i32
    %dma_start3A_63 = arith.constant 0 : i32
    %dma_start3A_64 = tpu.memref_slice %arg6[%dma_start3A_56, %dma_start3A_62, %dma_start3A_63] : memref<5x8x1024xf32, #tpu.memory_space<vmem>> -> memref<1x8x1024xf32, #tpu.memory_space<vmem>>
    %dma_start3A_65 = tpu.memref_squeeze %dma_start3A_64 : memref<1x8x1024xf32, #tpu.memory_space<vmem>> -> memref<8x1024xf32, #tpu.memory_space<vmem>>
    %dma_start3A_66 = tpu.memref_slice %arg3[%multiple_of3A, %multiple_of3A_55] : memref<1024x100000xf32, #tpu.memory_space<hbm>> -> memref<8x1024xf32, #tpu.memory_space<hbm>>
    tpu.enqueue_dma source(%dma_start3A_66 : memref<8x1024xf32, #tpu.memory_space<hbm>>) target(%dma_start3A_65 : memref<8x1024xf32, #tpu.memory_space<vmem>>) target_semaphore(%arg9 : memref<!tpu.dma_semaphore, #tpu.memory_space<semaphore_mem>>)
    %slice3A_67 = vector.extract_strided_slice %max3A_30 {offsets = [2], sizes = [1], strides = [1]} : vector<16xi32> to vector<1xi32>
    %squeeze3A_68 = vector.extract %slice3A_67[0] : i32 from vector<1xi32>
    %min3A_69 = arith.constant 97 : i32
    %min3A_70 = arith.minsi %squeeze3A_68, %min3A_69 : i32
    %mul3A_71 = arith.constant 1024 : i32
    %mul3A_72 = arith.muli %min3A_70, %mul3A_71 : i32
    %min3A_73 = arith.constant 98944 : i32
    %min3A_74 = arith.minsi %mul3A_72, %min3A_73 : i32
    %multiple_of3A_75 = tpu.assume_multiple %min3A_74, 128 : i32
    %dma_start3A_76 = arith.constant 2 : i32
    %dma_start3A_77 = arith.constant 0 : i32
    %dma_start3A_78 = arith.constant 0 : i32
    %dma_start3A_79 = tpu.memref_slice %arg6[%dma_start3A_76, %dma_start3A_77, %dma_start3A_78] : memref<5x8x1024xf32, #tpu.memory_space<vmem>> -> memref<1x8x1024xf32, #tpu.memory_space<vmem>>
    %dma_start3A_80 = tpu.memref_squeeze %dma_start3A_79 : memref<1x8x1024xf32, #tpu.memory_space<vmem>> -> memref<8x1024xf32, #tpu.memory_space<vmem>>
    %dma_start3A_81 = tpu.memref_slice %arg3[%multiple_of3A, %multiple_of3A_75] : memref<1024x100000xf32, #tpu.memory_space<hbm>> -> memref<8x1024xf32, #tpu.memory_space<hbm>>
    %dma_start3A_82 = arith.constant 0 : i32
    %dma_start3A_83 = arith.constant 0 : i32
    %dma_start3A_84 = tpu.memref_slice %arg6[%dma_start3A_76, %dma_start3A_82, %dma_start3A_83] : memref<5x8x1024xf32, #tpu.memory_space<vmem>> -> memref<1x8x1024xf32, #tpu.memory_space<vmem>>
    %dma_start3A_85 = tpu.memref_squeeze %dma_start3A_84 : memref<1x8x1024xf32, #tpu.memory_space<vmem>> -> memref<8x1024xf32, #tpu.memory_space<vmem>>
    %dma_start3A_86 = tpu.memref_slice %arg3[%multiple_of3A, %multiple_of3A_75] : memref<1024x100000xf32, #tpu.memory_space<hbm>> -> memref<8x1024xf32, #tpu.memory_space<hbm>>
    tpu.enqueue_dma source(%dma_start3A_86 : memref<8x1024xf32, #tpu.memory_space<hbm>>) target(%dma_start3A_85 : memref<8x1024xf32, #tpu.memory_space<vmem>>) target_semaphore(%arg9 : memref<!tpu.dma_semaphore, #tpu.memory_space<semaphore_mem>>)
    %slice3A_87 = vector.extract_strided_slice %max3A_30 {offsets = [3], sizes = [1], strides = [1]} : vector<16xi32> to vector<1xi32>
    %squeeze3A_88 = vector.extract %slice3A_87[0] : i32 from vector<1xi32>
    %min3A_89 = arith.constant 97 : i32
    %min3A_90 = arith.minsi %squeeze3A_88, %min3A_89 : i32
    %mul3A_91 = arith.constant 1024 : i32
    %mul3A_92 = arith.muli %min3A_90, %mul3A_91 : i32
    %min3A_93 = arith.constant 98944 : i32
    %min3A_94 = arith.minsi %mul3A_92, %min3A_93 : i32
    %multiple_of3A_95 = tpu.assume_multiple %min3A_94, 128 : i32
    %dma_start3A_96 = arith.constant 3 : i32
    %dma_start3A_97 = arith.constant 0 : i32
    %dma_start3A_98 = arith.constant 0 : i32
    %dma_start3A_99 = tpu.memref_slice %arg6[%dma_start3A_96, %dma_start3A_97, %dma_start3A_98] : memref<5x8x1024xf32, #tpu.memory_space<vmem>> -> memref<1x8x1024xf32, #tpu.memory_space<vmem>>
    %dma_start3A_100 = tpu.memref_squeeze %dma_start3A_99 : memref<1x8x1024xf32, #tpu.memory_space<vmem>> -> memref<8x1024xf32, #tpu.memory_space<vmem>>
    %dma_start3A_101 = tpu.memref_slice %arg3[%multiple_of3A, %multiple_of3A_95] : memref<1024x100000xf32, #tpu.memory_space<hbm>> -> memref<8x1024xf32, #tpu.memory_space<hbm>>
    %dma_start3A_102 = arith.constant 0 : i32
    %dma_start3A_103 = arith.constant 0 : i32
    %dma_start3A_104 = tpu.memref_slice %arg6[%dma_start3A_96, %dma_start3A_102, %dma_start3A_103] : memref<5x8x1024xf32, #tpu.memory_space<vmem>> -> memref<1x8x1024xf32, #tpu.memory_space<vmem>>
    %dma_start3A_105 = tpu.memref_squeeze %dma_start3A_104 : memref<1x8x1024xf32, #tpu.memory_space<vmem>> -> memref<8x1024xf32, #tpu.memory_space<vmem>>
    %dma_start3A_106 = tpu.memref_slice %arg3[%multiple_of3A, %multiple_of3A_95] : memref<1024x100000xf32, #tpu.memory_space<hbm>> -> memref<8x1024xf32, #tpu.memory_space<hbm>>
    tpu.enqueue_dma source(%dma_start3A_106 : memref<8x1024xf32, #tpu.memory_space<hbm>>) target(%dma_start3A_105 : memref<8x1024xf32, #tpu.memory_space<vmem>>) target_semaphore(%arg9 : memref<!tpu.dma_semaphore, #tpu.memory_space<semaphore_mem>>)
    %slice3A_107 = vector.extract_strided_slice %max3A_30 {offsets = [4], sizes = [1], strides = [1]} : vector<16xi32> to vector<1xi32>
    %squeeze3A_108 = vector.extract %slice3A_107[0] : i32 from vector<1xi32>
    %min3A_109 = arith.constant 97 : i32
    %min3A_110 = arith.minsi %squeeze3A_108, %min3A_109 : i32
    %mul3A_111 = arith.constant 1024 : i32
    %mul3A_112 = arith.muli %min3A_110, %mul3A_111 : i32
    %min3A_113 = arith.constant 98944 : i32
    %min3A_114 = arith.minsi %mul3A_112, %min3A_113 : i32
    %multiple_of3A_115 = tpu.assume_multiple %min3A_114, 128 : i32
    %dma_start3A_116 = arith.constant 4 : i32
    %dma_start3A_117 = arith.constant 0 : i32
    %dma_start3A_118 = arith.constant 0 : i32
    %dma_start3A_119 = tpu.memref_slice %arg6[%dma_start3A_116, %dma_start3A_117, %dma_start3A_118] : memref<5x8x1024xf32, #tpu.memory_space<vmem>> -> memref<1x8x1024xf32, #tpu.memory_space<vmem>>
    %dma_start3A_120 = tpu.memref_squeeze %dma_start3A_119 : memref<1x8x1024xf32, #tpu.memory_space<vmem>> -> memref<8x1024xf32, #tpu.memory_space<vmem>>
    %dma_start3A_121 = tpu.memref_slice %arg3[%multiple_of3A, %multiple_of3A_115] : memref<1024x100000xf32, #tpu.memory_space<hbm>> -> memref<8x1024xf32, #tpu.memory_space<hbm>>
    %dma_start3A_122 = arith.constant 0 : i32
    %dma_start3A_123 = arith.constant 0 : i32
    %dma_start3A_124 = tpu.memref_slice %arg6[%dma_start3A_116, %dma_start3A_122, %dma_start3A_123] : memref<5x8x1024xf32, #tpu.memory_space<vmem>> -> memref<1x8x1024xf32, #tpu.memory_space<vmem>>
    %dma_start3A_125 = tpu.memref_squeeze %dma_start3A_124 : memref<1x8x1024xf32, #tpu.memory_space<vmem>> -> memref<8x1024xf32, #tpu.memory_space<vmem>>
    %dma_start3A_126 = tpu.memref_slice %arg3[%multiple_of3A, %multiple_of3A_115] : memref<1024x100000xf32, #tpu.memory_space<hbm>> -> memref<8x1024xf32, #tpu.memory_space<hbm>>
    tpu.enqueue_dma source(%dma_start3A_126 : memref<8x1024xf32, #tpu.memory_space<hbm>>) target(%dma_start3A_125 : memref<8x1024xf32, #tpu.memory_space<vmem>>) target_semaphore(%arg9 : memref<!tpu.dma_semaphore, #tpu.memory_space<semaphore_mem>>)
    %scan3A = arith.constant 0 : i32
    %scan3A_127 = arith.constant 0 : i32
    %scan3A_128 = arith.constant 16 : i32
    %scan3A_129 = arith.addi %scan3A_127, %scan3A_128 : i32
    %scan3A_130 = arith.constant 1 : i32
    scf.for %scan3A_132 = %scan3A_127 to %scan3A_129 step %scan3A_130  : i32 {
      %mul3A_133 = arith.constant 2 : i32
      %mul3A_134 = arith.muli %mul3A_133, %scan3A_132 : i32
      %add3A_135 = arith.constant 1 : i32
      %add3A_136 = arith.addi %mul3A_134, %add3A_135 : i32
      %add3A_137 = arith.addi %mul3A_2, %add3A_136 : i32
      %jit3A_138 = arith.constant 8 : i32
      %div3A_139 = arith.divsi %add3A_137, %jit3A_138 : i32
      %sign3A_140 = arith.constant 0 : i32
      %sign3A_141 = arith.cmpi sgt, %add3A_137, %sign3A_140 : i32
      %sign3A_142 = arith.extui %sign3A_141 : i1 to i32
      %sign3A_143 = arith.constant 0 : i32
      %sign3A_144 = arith.cmpi slt, %add3A_137, %sign3A_143 : i32
      %sign3A_145 = arith.extui %sign3A_144 : i1 to i32
      %sign3A_146 = arith.subi %sign3A_142, %sign3A_145 : i32
      %sign3A_147 = arith.constant 0 : i32
      %sign3A_148 = arith.cmpi sgt, %jit3A_138, %sign3A_147 : i32
      %sign3A_149 = arith.extui %sign3A_148 : i1 to i32
      %sign3A_150 = arith.constant 0 : i32
      %sign3A_151 = arith.cmpi slt, %jit3A_138, %sign3A_150 : i32
      %sign3A_152 = arith.extui %sign3A_151 : i1 to i32
      %sign3A_153 = arith.subi %sign3A_149, %sign3A_152 : i32
      %ne3A_154 = arith.cmpi ne, %sign3A_146, %sign3A_153 : i32
      %rem3A_155 = arith.remsi %add3A_137, %jit3A_138 : i32
      %ne3A_156 = arith.constant 0 : i32
      %ne3A_157 = arith.cmpi ne, %rem3A_155, %ne3A_156 : i32
      %and3A_158 = arith.andi %ne3A_154, %ne3A_157 : i1
      %sub3A_159 = arith.constant 1 : i32
      %sub3A_160 = arith.subi %div3A_139, %sub3A_159 : i32
      %select_n3A_161 = arith.select %and3A_158, %sub3A_160, %div3A_139 : i32
      %mul3A_162 = arith.constant 8 : i32
      %mul3A_163 = arith.muli %select_n3A_161, %mul3A_162 : i32
      %multiple_of3A_164 = tpu.assume_multiple %mul3A_163, 8 : i32
      %get3A_165 = arith.constant 0 : i32
      %get3A_166 = arith.index_cast %add3A_136 : i32 to index
      %get3A_167 = arith.index_cast %get3A_165 : i32 to index
      %get3A_168 = arith.constant 0 : index
      %get3A_169 = tpu.vector_load %arg5[%get3A_166, %get3A_167, %get3A_168] {strides = array<i32>} : memref<32x1x128xi32, #tpu.memory_space<vmem>>, vector<1x1x16xi32>,
      %get3A_170 = vector.shape_cast %get3A_169 : vector<1x1x16xi32> to vector<16xi32>
      %max3A_171 = arith.constant 0 : i32
      %max3A_172 = vector.broadcast %max3A_171 : i32 to vector<16xi32>
      %max3A_173 = arith.maxsi %get3A_170, %max3A_172 : vector<16xi32>
      %slice3A_174 = vector.extract_strided_slice %max3A_173 {offsets = [0], sizes = [1], strides = [1]} : vector<16xi32> to vector<1xi32>
      %squeeze3A_175 = vector.extract %slice3A_174[0] : i32 from vector<1xi32>
      %min3A_176 = arith.constant 97 : i32
      %min3A_177 = arith.minsi %squeeze3A_175, %min3A_176 : i32
      %mul3A_178 = arith.constant 1024 : i32
      %mul3A_179 = arith.muli %min3A_177, %mul3A_178 : i32
      %min3A_180 = arith.constant 98944 : i32
      %min3A_181 = arith.minsi %mul3A_179, %min3A_180 : i32
      %multiple_of3A_182 = tpu.assume_multiple %min3A_181, 128 : i32
      %dma_start3A_183 = arith.constant 0 : i32
      %dma_start3A_184 = arith.constant 0 : i32
      %dma_start3A_185 = arith.constant 0 : i32
      %dma_start3A_186 = tpu.memref_slice %arg7[%dma_start3A_183, %dma_start3A_184, %dma_start3A_185] : memref<5x8x1024xf32, #tpu.memory_space<vmem>> -> memref<1x8x1024xf32, #tpu.memory_space<vmem>>
      %dma_start3A_187 = tpu.memref_squeeze %dma_start3A_186 : memref<1x8x1024xf32, #tpu.memory_space<vmem>> -> memref<8x1024xf32, #tpu.memory_space<vmem>>
      %dma_start3A_188 = tpu.memref_slice %arg3[%multiple_of3A_164, %multiple_of3A_182] : memref<1024x100000xf32, #tpu.memory_space<hbm>> -> memref<8x1024xf32, #tpu.memory_space<hbm>>
      %dma_start3A_189 = arith.constant 0 : i32
      %dma_start3A_190 = arith.constant 0 : i32
      %dma_start3A_191 = tpu.memref_slice %arg7[%dma_start3A_183, %dma_start3A_189, %dma_start3A_190] : memref<5x8x1024xf32, #tpu.memory_space<vmem>> -> memref<1x8x1024xf32, #tpu.memory_space<vmem>>
      %dma_start3A_192 = tpu.memref_squeeze %dma_start3A_191 : memref<1x8x1024xf32, #tpu.memory_space<vmem>> -> memref<8x1024xf32, #tpu.memory_space<vmem>>
      %dma_start3A_193 = tpu.memref_slice %arg3[%multiple_of3A_164, %multiple_of3A_182] : memref<1024x100000xf32, #tpu.memory_space<hbm>> -> memref<8x1024xf32, #tpu.memory_space<hbm>>
      tpu.enqueue_dma source(%dma_start3A_193 : memref<8x1024xf32, #tpu.memory_space<hbm>>) target(%dma_start3A_192 : memref<8x1024xf32, #tpu.memory_space<vmem>>) target_semaphore(%arg10 : memref<!tpu.dma_semaphore, #tpu.memory_space<semaphore_mem>>)
      %slice3A_194 = vector.extract_strided_slice %max3A_173 {offsets = [1], sizes = [1], strides = [1]} : vector<16xi32> to vector<1xi32>
      %squeeze3A_195 = vector.extract %slice3A_194[0] : i32 from vector<1xi32>
      %min3A_196 = arith.constant 97 : i32
      %min3A_197 = arith.minsi %squeeze3A_195, %min3A_196 : i32
      %mul3A_198 = arith.constant 1024 : i32
      %mul3A_199 = arith.muli %min3A_197, %mul3A_198 : i32
      %min3A_200 = arith.constant 98944 : i32
      %min3A_201 = arith.minsi %mul3A_199, %min3A_200 : i32
      %multiple_of3A_202 = tpu.assume_multiple %min3A_201, 128 : i32
      %dma_start3A_203 = arith.constant 1 : i32
      %dma_start3A_204 = arith.constant 0 : i32
      %dma_start3A_205 = arith.constant 0 : i32
      %dma_start3A_206 = tpu.memref_slice %arg7[%dma_start3A_203, %dma_start3A_204, %dma_start3A_205] : memref<5x8x1024xf32, #tpu.memory_space<vmem>> -> memref<1x8x1024xf32, #tpu.memory_space<vmem>>
      %dma_start3A_207 = tpu.memref_squeeze %dma_start3A_206 : memref<1x8x1024xf32, #tpu.memory_space<vmem>> -> memref<8x1024xf32, #tpu.memory_space<vmem>>
      %dma_start3A_208 = tpu.memref_slice %arg3[%multiple_of3A_164, %multiple_of3A_202] : memref<1024x100000xf32, #tpu.memory_space<hbm>> -> memref<8x1024xf32, #tpu.memory_space<hbm>>
      %dma_start3A_209 = arith.constant 0 : i32
      %dma_start3A_210 = arith.constant 0 : i32
      %dma_start3A_211 = tpu.memref_slice %arg7[%dma_start3A_203, %dma_start3A_209, %dma_start3A_210] : memref<5x8x1024xf32, #tpu.memory_space<vmem>> -> memref<1x8x1024xf32, #tpu.memory_space<vmem>>
      %dma_start3A_212 = tpu.memref_squeeze %dma_start3A_211 : memref<1x8x1024xf32, #tpu.memory_space<vmem>> -> memref<8x1024xf32, #tpu.memory_space<vmem>>
      %dma_start3A_213 = tpu.memref_slice %arg3[%multiple_of3A_164, %multiple_of3A_202] : memref<1024x100000xf32, #tpu.memory_space<hbm>> -> memref<8x1024xf32, #tpu.memory_space<hbm>>
      tpu.enqueue_dma source(%dma_start3A_213 : memref<8x1024xf32, #tpu.memory_space<hbm>>) target(%dma_start3A_212 : memref<8x1024xf32, #tpu.memory_space<vmem>>) target_semaphore(%arg10 : memref<!tpu.dma_semaphore, #tpu.memory_space<semaphore_mem>>)
      %slice3A_214 = vector.extract_strided_slice %max3A_173 {offsets = [2], sizes = [1], strides = [1]} : vector<16xi32> to vector<1xi32>
      %squeeze3A_215 = vector.extract %slice3A_214[0] : i32 from vector<1xi32>
      %min3A_216 = arith.constant 97 : i32
      %min3A_217 = arith.minsi %squeeze3A_215, %min3A_216 : i32
      %mul3A_218 = arith.constant 1024 : i32
      %mul3A_219 = arith.muli %min3A_217, %mul3A_218 : i32
      %min3A_220 = arith.constant 98944 : i32
      %min3A_221 = arith.minsi %mul3A_219, %min3A_220 : i32
      %multiple_of3A_222 = tpu.assume_multiple %min3A_221, 128 : i32
      %dma_start3A_223 = arith.constant 2 : i32
      %dma_start3A_224 = arith.constant 0 : i32
      %dma_start3A_225 = arith.constant 0 : i32
      %dma_start3A_226 = tpu.memref_slice %arg7[%dma_start3A_223, %dma_start3A_224, %dma_start3A_225] : memref<5x8x1024xf32, #tpu.memory_space<vmem>> -> memref<1x8x1024xf32, #tpu.memory_space<vmem>>
      %dma_start3A_227 = tpu.memref_squeeze %dma_start3A_226 : memref<1x8x1024xf32, #tpu.memory_space<vmem>> -> memref<8x1024xf32, #tpu.memory_space<vmem>>
      %dma_start3A_228 = tpu.memref_slice %arg3[%multiple_of3A_164, %multiple_of3A_222] : memref<1024x100000xf32, #tpu.memory_space<hbm>> -> memref<8x1024xf32, #tpu.memory_space<hbm>>
      %dma_start3A_229 = arith.constant 0 : i32
      %dma_start3A_230 = arith.constant 0 : i32
      %dma_start3A_231 = tpu.memref_slice %arg7[%dma_start3A_223, %dma_start3A_229, %dma_start3A_230] : memref<5x8x1024xf32, #tpu.memory_space<vmem>> -> memref<1x8x1024xf32, #tpu.memory_space<vmem>>
      %dma_start3A_232 = tpu.memref_squeeze %dma_start3A_231 : memref<1x8x1024xf32, #tpu.memory_space<vmem>> -> memref<8x1024xf32, #tpu.memory_space<vmem>>
      %dma_start3A_233 = tpu.memref_slice %arg3[%multiple_of3A_164, %multiple_of3A_222] : memref<1024x100000xf32, #tpu.memory_space<hbm>> -> memref<8x1024xf32, #tpu.memory_space<hbm>>
      tpu.enqueue_dma source(%dma_start3A_233 : memref<8x1024xf32, #tpu.memory_space<hbm>>) target(%dma_start3A_232 : memref<8x1024xf32, #tpu.memory_space<vmem>>) target_semaphore(%arg10 : memref<!tpu.dma_semaphore, #tpu.memory_space<semaphore_mem>>)
      %slice3A_234 = vector.extract_strided_slice %max3A_173 {offsets = [3], sizes = [1], strides = [1]} : vector<16xi32> to vector<1xi32>
      %squeeze3A_235 = vector.extract %slice3A_234[0] : i32 from vector<1xi32>
      %min3A_236 = arith.constant 97 : i32
      %min3A_237 = arith.minsi %squeeze3A_235, %min3A_236 : i32
      %mul3A_238 = arith.constant 1024 : i32
      %mul3A_239 = arith.muli %min3A_237, %mul3A_238 : i32
      %min3A_240 = arith.constant 98944 : i32
      %min3A_241 = arith.minsi %mul3A_239, %min3A_240 : i32
      %multiple_of3A_242 = tpu.assume_multiple %min3A_241, 128 : i32
      %dma_start3A_243 = arith.constant 3 : i32
      %dma_start3A_244 = arith.constant 0 : i32
      %dma_start3A_245 = arith.constant 0 : i32
      %dma_start3A_246 = tpu.memref_slice %arg7[%dma_start3A_243, %dma_start3A_244, %dma_start3A_245] : memref<5x8x1024xf32, #tpu.memory_space<vmem>> -> memref<1x8x1024xf32, #tpu.memory_space<vmem>>
      %dma_start3A_247 = tpu.memref_squeeze %dma_start3A_246 : memref<1x8x1024xf32, #tpu.memory_space<vmem>> -> memref<8x1024xf32, #tpu.memory_space<vmem>>
      %dma_start3A_248 = tpu.memref_slice %arg3[%multiple_of3A_164, %multiple_of3A_242] : memref<1024x100000xf32, #tpu.memory_space<hbm>> -> memref<8x1024xf32, #tpu.memory_space<hbm>>
      %dma_start3A_249 = arith.constant 0 : i32
      %dma_start3A_250 = arith.constant 0 : i32
      %dma_start3A_251 = tpu.memref_slice %arg7[%dma_start3A_243, %dma_start3A_249, %dma_start3A_250] : memref<5x8x1024xf32, #tpu.memory_space<vmem>> -> memref<1x8x1024xf32, #tpu.memory_space<vmem>>
      %dma_start3A_252 = tpu.memref_squeeze %dma_start3A_251 : memref<1x8x1024xf32, #tpu.memory_space<vmem>> -> memref<8x1024xf32, #tpu.memory_space<vmem>>
      %dma_start3A_253 = tpu.memref_slice %arg3[%multiple_of3A_164, %multiple_of3A_242] : memref<1024x100000xf32, #tpu.memory_space<hbm>> -> memref<8x1024xf32, #tpu.memory_space<hbm>>
      tpu.enqueue_dma source(%dma_start3A_253 : memref<8x1024xf32, #tpu.memory_space<hbm>>) target(%dma_start3A_252 : memref<8x1024xf32, #tpu.memory_space<vmem>>) target_semaphore(%arg10 : memref<!tpu.dma_semaphore, #tpu.memory_space<semaphore_mem>>)
      %slice3A_254 = vector.extract_strided_slice %max3A_173 {offsets = [4], sizes = [1], strides = [1]} : vector<16xi32> to vector<1xi32>
      %squeeze3A_255 = vector.extract %slice3A_254[0] : i32 from vector<1xi32>
      %min3A_256 = arith.constant 97 : i32
      %min3A_257 = arith.minsi %squeeze3A_255, %min3A_256 : i32
      %mul3A_258 = arith.constant 1024 : i32
      %mul3A_259 = arith.muli %min3A_257, %mul3A_258 : i32
      %min3A_260 = arith.constant 98944 : i32
      %min3A_261 = arith.minsi %mul3A_259, %min3A_260 : i32
      %multiple_of3A_262 = tpu.assume_multiple %min3A_261, 128 : i32
      %dma_start3A_263 = arith.constant 4 : i32
      %dma_start3A_264 = arith.constant 0 : i32
      %dma_start3A_265 = arith.constant 0 : i32
      %dma_start3A_266 = tpu.memref_slice %arg7[%dma_start3A_263, %dma_start3A_264, %dma_start3A_265] : memref<5x8x1024xf32, #tpu.memory_space<vmem>> -> memref<1x8x1024xf32, #tpu.memory_space<vmem>>
      %dma_start3A_267 = tpu.memref_squeeze %dma_start3A_266 : memref<1x8x1024xf32, #tpu.memory_space<vmem>> -> memref<8x1024xf32, #tpu.memory_space<vmem>>
      %dma_start3A_268 = tpu.memref_slice %arg3[%multiple_of3A_164, %multiple_of3A_262] : memref<1024x100000xf32, #tpu.memory_space<hbm>> -> memref<8x1024xf32, #tpu.memory_space<hbm>>
      %dma_start3A_269 = arith.constant 0 : i32
      %dma_start3A_270 = arith.constant 0 : i32
      %dma_start3A_271 = tpu.memref_slice %arg7[%dma_start3A_263, %dma_start3A_269, %dma_start3A_270] : memref<5x8x1024xf32, #tpu.memory_space<vmem>> -> memref<1x8x1024xf32, #tpu.memory_space<vmem>>
      %dma_start3A_272 = tpu.memref_squeeze %dma_start3A_271 : memref<1x8x1024xf32, #tpu.memory_space<vmem>> -> memref<8x1024xf32, #tpu.memory_space<vmem>>
      %dma_start3A_273 = tpu.memref_slice %arg3[%multiple_of3A_164, %multiple_of3A_262] : memref<1024x100000xf32, #tpu.memory_space<hbm>> -> memref<8x1024xf32, #tpu.memory_space<hbm>>
      tpu.enqueue_dma source(%dma_start3A_273 : memref<8x1024xf32, #tpu.memory_space<hbm>>) target(%dma_start3A_272 : memref<8x1024xf32, #tpu.memory_space<vmem>>) target_semaphore(%arg10 : memref<!tpu.dma_semaphore, #tpu.memory_space<semaphore_mem>>)
      %dma_wait3A = arith.constant 0 : i32
      %dma_wait3A_274 = arith.constant 0 : i32
      %dma_wait3A_275 = arith.constant 0 : i32
      %dma_wait3A_276 = tpu.memref_slice %arg6[%dma_wait3A, %dma_wait3A_274, %dma_wait3A_275] : memref<5x8x1024xf32, #tpu.memory_space<vmem>> -> memref<1x8x1024xf32, #tpu.memory_space<vmem>>
      %dma_wait3A_277 = tpu.memref_squeeze %dma_wait3A_276 : memref<1x8x1024xf32, #tpu.memory_space<vmem>> -> memref<8x1024xf32, #tpu.memory_space<vmem>>
      %dma_wait3A_278 = arith.constant 0 : i32
      %dma_wait3A_279 = arith.constant 0 : i32
      %dma_wait3A_280 = tpu.memref_slice %arg3[%dma_wait3A_278, %dma_wait3A_279] : memref<1024x100000xf32, #tpu.memory_space<hbm>> -> memref<8x1024xf32, #tpu.memory_space<hbm>>
      %dma_wait3A_281 = arith.constant 0 : i32
      %dma_wait3A_282 = arith.constant 0 : i32
      %dma_wait3A_283 = tpu.memref_slice %arg6[%dma_wait3A, %dma_wait3A_281, %dma_wait3A_282] : memref<5x8x1024xf32, #tpu.memory_space<vmem>> -> memref<1x8x1024xf32, #tpu.memory_space<vmem>>
      %dma_wait3A_284 = tpu.memref_squeeze %dma_wait3A_283 : memref<1x8x1024xf32, #tpu.memory_space<vmem>> -> memref<8x1024xf32, #tpu.memory_space<vmem>>
      %dma_wait3A_285 = arith.constant 0 : i32
      %dma_wait3A_286 = arith.constant 0 : i32
      %dma_wait3A_287 = tpu.memref_slice %arg3[%dma_wait3A_285, %dma_wait3A_286] : memref<1024x100000xf32, #tpu.memory_space<hbm>> -> memref<8x1024xf32, #tpu.memory_space<hbm>>
      tpu.wait_dma2 semaphore(%arg9 : memref<!tpu.dma_semaphore, #tpu.memory_space<semaphore_mem>>) src(%dma_wait3A_287 : memref<8x1024xf32, #tpu.memory_space<hbm>>) dst(%dma_wait3A_284 : memref<8x1024xf32, #tpu.memory_space<vmem>>)
      %dma_wait3A_288 = arith.constant 1 : i32
      %dma_wait3A_289 = arith.constant 0 : i32
      %dma_wait3A_290 = arith.constant 0 : i32
      %dma_wait3A_291 = tpu.memref_slice %arg6[%dma_wait3A_288, %dma_wait3A_289, %dma_wait3A_290] : memref<5x8x1024xf32, #tpu.memory_space<vmem>> -> memref<1x8x1024xf32, #tpu.memory_space<vmem>>
      %dma_wait3A_292 = tpu.memref_squeeze %dma_wait3A_291 : memref<1x8x1024xf32, #tpu.memory_space<vmem>> -> memref<8x1024xf32, #tpu.memory_space<vmem>>
      %dma_wait3A_293 = arith.constant 0 : i32
      %dma_wait3A_294 = arith.constant 0 : i32
      %dma_wait3A_295 = tpu.memref_slice %arg3[%dma_wait3A_293, %dma_wait3A_294] : memref<1024x100000xf32, #tpu.memory_space<hbm>> -> memref<8x1024xf32, #tpu.memory_space<hbm>>
      %dma_wait3A_296 = arith.constant 0 : i32
      %dma_wait3A_297 = arith.constant 0 : i32
      %dma_wait3A_298 = tpu.memref_slice %arg6[%dma_wait3A_288, %dma_wait3A_296, %dma_wait3A_297] : memref<5x8x1024xf32, #tpu.memory_space<vmem>> -> memref<1x8x1024xf32, #tpu.memory_space<vmem>>
      %dma_wait3A_299 = tpu.memref_squeeze %dma_wait3A_298 : memref<1x8x1024xf32, #tpu.memory_space<vmem>> -> memref<8x1024xf32, #tpu.memory_space<vmem>>
      %dma_wait3A_300 = arith.constant 0 : i32
      %dma_wait3A_301 = arith.constant 0 : i32
      %dma_wait3A_302 = tpu.memref_slice %arg3[%dma_wait3A_300, %dma_wait3A_301] : memref<1024x100000xf32, #tpu.memory_space<hbm>> -> memref<8x1024xf32, #tpu.memory_space<hbm>>
      tpu.wait_dma2 semaphore(%arg9 : memref<!tpu.dma_semaphore, #tpu.memory_space<semaphore_mem>>) src(%dma_wait3A_302 : memref<8x1024xf32, #tpu.memory_space<hbm>>) dst(%dma_wait3A_299 : memref<8x1024xf32, #tpu.memory_space<vmem>>)
      %dma_wait3A_303 = arith.constant 2 : i32
      %dma_wait3A_304 = arith.constant 0 : i32
      %dma_wait3A_305 = arith.constant 0 : i32
      %dma_wait3A_306 = tpu.memref_slice %arg6[%dma_wait3A_303, %dma_wait3A_304, %dma_wait3A_305] : memref<5x8x1024xf32, #tpu.memory_space<vmem>> -> memref<1x8x1024xf32, #tpu.memory_space<vmem>>
      %dma_wait3A_307 = tpu.memref_squeeze %dma_wait3A_306 : memref<1x8x1024xf32, #tpu.memory_space<vmem>> -> memref<8x1024xf32, #tpu.memory_space<vmem>>
      %dma_wait3A_308 = arith.constant 0 : i32
      %dma_wait3A_309 = arith.constant 0 : i32
      %dma_wait3A_310 = tpu.memref_slice %arg3[%dma_wait3A_308, %dma_wait3A_309] : memref<1024x100000xf32, #tpu.memory_space<hbm>> -> memref<8x1024xf32, #tpu.memory_space<hbm>>
      %dma_wait3A_311 = arith.constant 0 : i32
      %dma_wait3A_312 = arith.constant 0 : i32
      %dma_wait3A_313 = tpu.memref_slice %arg6[%dma_wait3A_303, %dma_wait3A_311, %dma_wait3A_312] : memref<5x8x1024xf32, #tpu.memory_space<vmem>> -> memref<1x8x1024xf32, #tpu.memory_space<vmem>>
      %dma_wait3A_314 = tpu.memref_squeeze %dma_wait3A_313 : memref<1x8x1024xf32, #tpu.memory_space<vmem>> -> memref<8x1024xf32, #tpu.memory_space<vmem>>
      %dma_wait3A_315 = arith.constant 0 : i32
      %dma_wait3A_316 = arith.constant 0 : i32
      %dma_wait3A_317 = tpu.memref_slice %arg3[%dma_wait3A_315, %dma_wait3A_316] : memref<1024x100000xf32, #tpu.memory_space<hbm>> -> memref<8x1024xf32, #tpu.memory_space<hbm>>
      tpu.wait_dma2 semaphore(%arg9 : memref<!tpu.dma_semaphore, #tpu.memory_space<semaphore_mem>>) src(%dma_wait3A_317 : memref<8x1024xf32, #tpu.memory_space<hbm>>) dst(%dma_wait3A_314 : memref<8x1024xf32, #tpu.memory_space<vmem>>)
      %dma_wait3A_318 = arith.constant 3 : i32
      %dma_wait3A_319 = arith.constant 0 : i32
      %dma_wait3A_320 = arith.constant 0 : i32
      %dma_wait3A_321 = tpu.memref_slice %arg6[%dma_wait3A_318, %dma_wait3A_319, %dma_wait3A_320] : memref<5x8x1024xf32, #tpu.memory_space<vmem>> -> memref<1x8x1024xf32, #tpu.memory_space<vmem>>
      %dma_wait3A_322 = tpu.memref_squeeze %dma_wait3A_321 : memref<1x8x1024xf32, #tpu.memory_space<vmem>> -> memref<8x1024xf32, #tpu.memory_space<vmem>>
      %dma_wait3A_323 = arith.constant 0 : i32
      %dma_wait3A_324 = arith.constant 0 : i32
      %dma_wait3A_325 = tpu.memref_slice %arg3[%dma_wait3A_323, %dma_wait3A_324] : memref<1024x100000xf32, #tpu.memory_space<hbm>> -> memref<8x1024xf32, #tpu.memory_space<hbm>>
      %dma_wait3A_326 = arith.constant 0 : i32
      %dma_wait3A_327 = arith.constant 0 : i32
      %dma_wait3A_328 = tpu.memref_slice %arg6[%dma_wait3A_318, %dma_wait3A_326, %dma_wait3A_327] : memref<5x8x1024xf32, #tpu.memory_space<vmem>> -> memref<1x8x1024xf32, #tpu.memory_space<vmem>>
      %dma_wait3A_329 = tpu.memref_squeeze %dma_wait3A_328 : memref<1x8x1024xf32, #tpu.memory_space<vmem>> -> memref<8x1024xf32, #tpu.memory_space<vmem>>
      %dma_wait3A_330 = arith.constant 0 : i32
      %dma_wait3A_331 = arith.constant 0 : i32
      %dma_wait3A_332 = tpu.memref_slice %arg3[%dma_wait3A_330, %dma_wait3A_331] : memref<1024x100000xf32, #tpu.memory_space<hbm>> -> memref<8x1024xf32, #tpu.memory_space<hbm>>
      tpu.wait_dma2 semaphore(%arg9 : memref<!tpu.dma_semaphore, #tpu.memory_space<semaphore_mem>>) src(%dma_wait3A_332 : memref<8x1024xf32, #tpu.memory_space<hbm>>) dst(%dma_wait3A_329 : memref<8x1024xf32, #tpu.memory_space<vmem>>)
      %dma_wait3A_333 = arith.constant 4 : i32
      %dma_wait3A_334 = arith.constant 0 : i32
      %dma_wait3A_335 = arith.constant 0 : i32
      %dma_wait3A_336 = tpu.memref_slice %arg6[%dma_wait3A_333, %dma_wait3A_334, %dma_wait3A_335] : memref<5x8x1024xf32, #tpu.memory_space<vmem>> -> memref<1x8x1024xf32, #tpu.memory_space<vmem>>
      %dma_wait3A_337 = tpu.memref_squeeze %dma_wait3A_336 : memref<1x8x1024xf32, #tpu.memory_space<vmem>> -> memref<8x1024xf32, #tpu.memory_space<vmem>>
      %dma_wait3A_338 = arith.constant 0 : i32
      %dma_wait3A_339 = arith.constant 0 : i32
      %dma_wait3A_340 = tpu.memref_slice %arg3[%dma_wait3A_338, %dma_wait3A_339] : memref<1024x100000xf32, #tpu.memory_space<hbm>> -> memref<8x1024xf32, #tpu.memory_space<hbm>>
      %dma_wait3A_341 = arith.constant 0 : i32
      %dma_wait3A_342 = arith.constant 0 : i32
      %dma_wait3A_343 = tpu.memref_slice %arg6[%dma_wait3A_333, %dma_wait3A_341, %dma_wait3A_342] : memref<5x8x1024xf32, #tpu.memory_space<vmem>> -> memref<1x8x1024xf32, #tpu.memory_space<vmem>>
      %dma_wait3A_344 = tpu.memref_squeeze %dma_wait3A_343 : memref<1x8x1024xf32, #tpu.memory_space<vmem>> -> memref<8x1024xf32, #tpu.memory_space<vmem>>
      %dma_wait3A_345 = arith.constant 0 : i32
      %dma_wait3A_346 = arith.constant 0 : i32
      %dma_wait3A_347 = tpu.memref_slice %arg3[%dma_wait3A_345, %dma_wait3A_346] : memref<1024x100000xf32, #tpu.memory_space<hbm>> -> memref<8x1024xf32, #tpu.memory_space<hbm>>
      tpu.wait_dma2 semaphore(%arg9 : memref<!tpu.dma_semaphore, #tpu.memory_space<semaphore_mem>>) src(%dma_wait3A_347 : memref<8x1024xf32, #tpu.memory_space<hbm>>) dst(%dma_wait3A_344 : memref<8x1024xf32, #tpu.memory_space<vmem>>)
      %add3A_348 = arith.addi %mul3A_2, %mul3A_134 : i32
      %jit3A_349 = arith.constant 8 : i32
      %div3A_350 = arith.divsi %add3A_348, %jit3A_349 : i32
      %sign3A_351 = arith.constant 0 : i32
      %sign3A_352 = arith.cmpi sgt, %add3A_348, %sign3A_351 : i32
      %sign3A_353 = arith.extui %sign3A_352 : i1 to i32
      %sign3A_354 = arith.constant 0 : i32
      %sign3A_355 = arith.cmpi slt, %add3A_348, %sign3A_354 : i32
      %sign3A_356 = arith.extui %sign3A_355 : i1 to i32
      %sign3A_357 = arith.subi %sign3A_353, %sign3A_356 : i32
      %sign3A_358 = arith.constant 0 : i32
      %sign3A_359 = arith.cmpi sgt, %jit3A_349, %sign3A_358 : i32
      %sign3A_360 = arith.extui %sign3A_359 : i1 to i32
      %sign3A_361 = arith.constant 0 : i32
      %sign3A_362 = arith.cmpi slt, %jit3A_349, %sign3A_361 : i32
      %sign3A_363 = arith.extui %sign3A_362 : i1 to i32
      %sign3A_364 = arith.subi %sign3A_360, %sign3A_363 : i32
      %ne3A_365 = arith.cmpi ne, %sign3A_357, %sign3A_364 : i32
      %rem3A_366 = arith.remsi %add3A_348, %jit3A_349 : i32
      %ne3A_367 = arith.constant 0 : i32
      %ne3A_368 = arith.cmpi ne, %rem3A_366, %ne3A_367 : i32
      %and3A_369 = arith.andi %ne3A_365, %ne3A_368 : i1
      %sub3A_370 = arith.constant 1 : i32
      %sub3A_371 = arith.subi %div3A_350, %sub3A_370 : i32
      %select_n3A_372 = arith.select %and3A_369, %sub3A_371, %div3A_350 : i32
      %mul3A_373 = arith.constant 8 : i32
      %mul3A_374 = arith.muli %select_n3A_372, %mul3A_373 : i32
      %sub3A_375 = arith.subi %add3A_348, %mul3A_374 : i32
      %scan3A_376 = arith.constant 0 : i32
      %scan3A_377 = arith.constant 0 : i32
      %scan3A_378 = arith.constant 64 : i32
      %scan3A_379 = arith.addi %scan3A_377, %scan3A_378 : i32
      %scan3A_380 = arith.constant 1 : i32
      scf.for %scan3A_497 = %scan3A_377 to %scan3A_379 step %scan3A_380  : i32 {
        %mul3A_498 = arith.constant 16 : i32
        %mul3A_499 = arith.muli %scan3A_497, %mul3A_498 : i32
        %get3A_500 = arith.constant 0 : i32
        %get3A_501 = arith.index_cast %get3A_500 : i32 to index
        %get3A_502 = arith.index_cast %sub3A_375 : i32 to index
        %get3A_503 = arith.index_cast %mul3A_499 : i32 to index
        %get3A_504 = tpu.vector_load %arg6[%get3A_501, %get3A_502, %get3A_503] {strides = array<i32>} : memref<5x8x1024xf32, #tpu.memory_space<vmem>>, vector<1x1x16xf32>,
        %get3A_505 = vector.shape_cast %get3A_504 : vector<1x1x16xf32> to vector<16xf32>
        %mul3A_506 = arith.constant 16 : i32
        %mul3A_507 = arith.muli %scan3A_497, %mul3A_506 : i32
        %swap3A = arith.constant 0 : i32
        %swap3A_508 = arith.index_cast %swap3A : i32 to index
        %swap3A_509 = arith.index_cast %mul3A_507 : i32 to index
        %swap3A_510 = tpu.vector_load %arg8[%swap3A_508, %swap3A_509] {strides = array<i32>} : memref<5x1024xf32, #tpu.memory_space<vmem>>, vector<1x16xf32>,
        %swap3A_511 = vector.shape_cast %swap3A_510 : vector<1x16xf32> to vector<16xf32>
        %swap3A_512 = vector.shape_cast %get3A_505 : vector<16xf32> to vector<1x16xf32>
        tpu.vector_store %arg8[%swap3A_508, %swap3A_509], %swap3A_512 {strides = array<i32>} : memref<5x1024xf32, #tpu.memory_space<vmem>>, vector<1x16xf32>,
        %mul3A_513 = arith.constant 16 : i32
        %mul3A_514 = arith.muli %scan3A_497, %mul3A_513 : i32
        %get3A_515 = arith.constant 1 : i32
        %get3A_516 = arith.index_cast %get3A_515 : i32 to index
        %get3A_517 = arith.index_cast %sub3A_375 : i32 to index
        %get3A_518 = arith.index_cast %mul3A_514 : i32 to index
        %get3A_519 = tpu.vector_load %arg6[%get3A_516, %get3A_517, %get3A_518] {strides = array<i32>} : memref<5x8x1024xf32, #tpu.memory_space<vmem>>, vector<1x1x16xf32>,
        %get3A_520 = vector.shape_cast %get3A_519 : vector<1x1x16xf32> to vector<16xf32>
        %mul3A_521 = arith.constant 16 : i32
        %mul3A_522 = arith.muli %scan3A_497, %mul3A_521 : i32
        %swap3A_523 = arith.constant 1 : i32
        %swap3A_524 = arith.index_cast %swap3A_523 : i32 to index
        %swap3A_525 = arith.index_cast %mul3A_522 : i32 to index
        %swap3A_526 = tpu.vector_load %arg8[%swap3A_524, %swap3A_525] {strides = array<i32>} : memref<5x1024xf32, #tpu.memory_space<vmem>>, vector<1x16xf32>,
        %swap3A_527 = vector.shape_cast %swap3A_526 : vector<1x16xf32> to vector<16xf32>
        %swap3A_528 = vector.shape_cast %get3A_520 : vector<16xf32> to vector<1x16xf32>
        tpu.vector_store %arg8[%swap3A_524, %swap3A_525], %swap3A_528 {strides = array<i32>} : memref<5x1024xf32, #tpu.memory_space<vmem>>, vector<1x16xf32>,
        %mul3A_529 = arith.constant 16 : i32
        %mul3A_530 = arith.muli %scan3A_497, %mul3A_529 : i32
        %get3A_531 = arith.constant 2 : i32
        %get3A_532 = arith.index_cast %get3A_531 : i32 to index
        %get3A_533 = arith.index_cast %sub3A_375 : i32 to index
        %get3A_534 = arith.index_cast %mul3A_530 : i32 to index
        %get3A_535 = tpu.vector_load %arg6[%get3A_532, %get3A_533, %get3A_534] {strides = array<i32>} : memref<5x8x1024xf32, #tpu.memory_space<vmem>>, vector<1x1x16xf32>,
        %get3A_536 = vector.shape_cast %get3A_535 : vector<1x1x16xf32> to vector<16xf32>
        %mul3A_537 = arith.constant 16 : i32
        %mul3A_538 = arith.muli %scan3A_497, %mul3A_537 : i32
        %swap3A_539 = arith.constant 2 : i32
        %swap3A_540 = arith.index_cast %swap3A_539 : i32 to index
        %swap3A_541 = arith.index_cast %mul3A_538 : i32 to index
        %swap3A_542 = tpu.vector_load %arg8[%swap3A_540, %swap3A_541] {strides = array<i32>} : memref<5x1024xf32, #tpu.memory_space<vmem>>, vector<1x16xf32>,
        %swap3A_543 = vector.shape_cast %swap3A_542 : vector<1x16xf32> to vector<16xf32>
        %swap3A_544 = vector.shape_cast %get3A_536 : vector<16xf32> to vector<1x16xf32>
        tpu.vector_store %arg8[%swap3A_540, %swap3A_541], %swap3A_544 {strides = array<i32>} : memref<5x1024xf32, #tpu.memory_space<vmem>>, vector<1x16xf32>,
        %mul3A_545 = arith.constant 16 : i32
        %mul3A_546 = arith.muli %scan3A_497, %mul3A_545 : i32
        %get3A_547 = arith.constant 3 : i32
        %get3A_548 = arith.index_cast %get3A_547 : i32 to index
        %get3A_549 = arith.index_cast %sub3A_375 : i32 to index
        %get3A_550 = arith.index_cast %mul3A_546 : i32 to index
        %get3A_551 = tpu.vector_load %arg6[%get3A_548, %get3A_549, %get3A_550] {strides = array<i32>} : memref<5x8x1024xf32, #tpu.memory_space<vmem>>, vector<1x1x16xf32>,
        %get3A_552 = vector.shape_cast %get3A_551 : vector<1x1x16xf32> to vector<16xf32>
        %mul3A_553 = arith.constant 16 : i32
        %mul3A_554 = arith.muli %scan3A_497, %mul3A_553 : i32
        %swap3A_555 = arith.constant 3 : i32
        %swap3A_556 = arith.index_cast %swap3A_555 : i32 to index
        %swap3A_557 = arith.index_cast %mul3A_554 : i32 to index
        %swap3A_558 = tpu.vector_load %arg8[%swap3A_556, %swap3A_557] {strides = array<i32>} : memref<5x1024xf32, #tpu.memory_space<vmem>>, vector<1x16xf32>,
        %swap3A_559 = vector.shape_cast %swap3A_558 : vector<1x16xf32> to vector<16xf32>
        %swap3A_560 = vector.shape_cast %get3A_552 : vector<16xf32> to vector<1x16xf32>
        tpu.vector_store %arg8[%swap3A_556, %swap3A_557], %swap3A_560 {strides = array<i32>} : memref<5x1024xf32, #tpu.memory_space<vmem>>, vector<1x16xf32>,
        %mul3A_561 = arith.constant 16 : i32
        %mul3A_562 = arith.muli %scan3A_497, %mul3A_561 : i32
        %get3A_563 = arith.constant 4 : i32
        %get3A_564 = arith.index_cast %get3A_563 : i32 to index
        %get3A_565 = arith.index_cast %sub3A_375 : i32 to index
        %get3A_566 = arith.index_cast %mul3A_562 : i32 to index
        %get3A_567 = tpu.vector_load %arg6[%get3A_564, %get3A_565, %get3A_566] {strides = array<i32>} : memref<5x8x1024xf32, #tpu.memory_space<vmem>>, vector<1x1x16xf32>,
        %get3A_568 = vector.shape_cast %get3A_567 : vector<1x1x16xf32> to vector<16xf32>
        %mul3A_569 = arith.constant 16 : i32
        %mul3A_570 = arith.muli %scan3A_497, %mul3A_569 : i32
        %swap3A_571 = arith.constant 4 : i32
        %swap3A_572 = arith.index_cast %swap3A_571 : i32 to index
        %swap3A_573 = arith.index_cast %mul3A_570 : i32 to index
        %swap3A_574 = tpu.vector_load %arg8[%swap3A_572, %swap3A_573] {strides = array<i32>} : memref<5x1024xf32, #tpu.memory_space<vmem>>, vector<1x16xf32>,
        %swap3A_575 = vector.shape_cast %swap3A_574 : vector<1x16xf32> to vector<16xf32>
        %swap3A_576 = vector.shape_cast %get3A_568 : vector<16xf32> to vector<1x16xf32>
        tpu.vector_store %arg8[%swap3A_572, %swap3A_573], %swap3A_576 {strides = array<i32>} : memref<5x1024xf32, #tpu.memory_space<vmem>>, vector<1x16xf32>,
      }
      %scan3A_381 = arith.constant 64 : i32
      "tpu.region"() ({
        %run_scoped3A = tpu.sem_alloc : memref<!tpu.dma_semaphore, #tpu.memory_space<semaphore_mem>>
        %dma_start3A_497 = arith.constant 0 : i32
        %dma_start3A_498 = arith.constant 0 : i32
        %dma_start3A_499 = tpu.memref_slice %arg4[%add3A_348, %dma_start3A_497, %dma_start3A_498] : memref<1024x5x1024xf32, #tpu.memory_space<hbm>> -> memref<1x5x1024xf32, #tpu.memory_space<hbm>>
        %dma_start3A_500 = tpu.memref_squeeze %dma_start3A_499 : memref<1x5x1024xf32, #tpu.memory_space<hbm>> -> memref<5x1024xf32, #tpu.memory_space<hbm>>
        %dma_start3A_501 = arith.constant 0 : i32
        %dma_start3A_502 = arith.constant 0 : i32
        %dma_start3A_503 = tpu.memref_slice %arg4[%add3A_348, %dma_start3A_501, %dma_start3A_502] : memref<1024x5x1024xf32, #tpu.memory_space<hbm>> -> memref<1x5x1024xf32, #tpu.memory_space<hbm>>
        %dma_start3A_504 = tpu.memref_squeeze %dma_start3A_503 : memref<1x5x1024xf32, #tpu.memory_space<hbm>> -> memref<5x1024xf32, #tpu.memory_space<hbm>>
        tpu.enqueue_dma source(%arg8 : memref<5x1024xf32, #tpu.memory_space<vmem>>) target(%dma_start3A_504 : memref<5x1024xf32, #tpu.memory_space<hbm>>) target_semaphore(%run_scoped3A : memref<!tpu.dma_semaphore, #tpu.memory_space<semaphore_mem>>)
        %dma_wait3A_505 = arith.constant 0 : i32
        %dma_wait3A_506 = arith.constant 0 : i32
        %dma_wait3A_507 = tpu.memref_slice %arg4[%add3A_348, %dma_wait3A_505, %dma_wait3A_506] : memref<1024x5x1024xf32, #tpu.memory_space<hbm>> -> memref<1x5x1024xf32, #tpu.memory_space<hbm>>
        %dma_wait3A_508 = tpu.memref_squeeze %dma_wait3A_507 : memref<1x5x1024xf32, #tpu.memory_space<hbm>> -> memref<5x1024xf32, #tpu.memory_space<hbm>>
        %dma_wait3A_509 = arith.constant 0 : i32
        %dma_wait3A_510 = arith.constant 0 : i32
        %dma_wait3A_511 = tpu.memref_slice %arg4[%add3A_348, %dma_wait3A_509, %dma_wait3A_510] : memref<1024x5x1024xf32, #tpu.memory_space<hbm>> -> memref<1x5x1024xf32, #tpu.memory_space<hbm>>
        %dma_wait3A_512 = tpu.memref_squeeze %dma_wait3A_511 : memref<1x5x1024xf32, #tpu.memory_space<hbm>> -> memref<5x1024xf32, #tpu.memory_space<hbm>>
        tpu.wait_dma2 semaphore(%run_scoped3A : memref<!tpu.dma_semaphore, #tpu.memory_space<semaphore_mem>>) src(%arg8 : memref<5x1024xf32, #tpu.memory_space<vmem>>) dst(%dma_wait3A_512 : memref<5x1024xf32, #tpu.memory_space<hbm>>)
        tpu.yield
      }) : () -> ()
      %add3A_382 = arith.constant 2 : i32
      %add3A_383 = arith.addi %mul3A_134, %add3A_382 : i32
      %lt3A = arith.constant 32 : i32
      %lt3A_384 = arith.cmpi slt, %add3A_383, %lt3A : i32
      %convert_element_type3A = arith.extui %lt3A_384 : i1 to i32
      %cond3A = arith.constant 0 : i32
      %cond3A_385 = arith.cmpi ne, %convert_element_type3A, %cond3A : i32
      scf.if %cond3A_385 {
        %add3A_497 = arith.constant 2 : i32
        %add3A_498 = arith.addi %mul3A_134, %add3A_497 : i32
        %add3A_499 = arith.addi %mul3A_2, %add3A_498 : i32
        %jit3A_500 = arith.constant 8 : i32
        %div3A_501 = arith.divsi %add3A_499, %jit3A_500 : i32
        %sign3A_502 = arith.constant 0 : i32
        %sign3A_503 = arith.cmpi sgt, %add3A_499, %sign3A_502 : i32
        %sign3A_504 = arith.extui %sign3A_503 : i1 to i32
        %sign3A_505 = arith.constant 0 : i32
        %sign3A_506 = arith.cmpi slt, %add3A_499, %sign3A_505 : i32
        %sign3A_507 = arith.extui %sign3A_506 : i1 to i32
        %sign3A_508 = arith.subi %sign3A_504, %sign3A_507 : i32
        %sign3A_509 = arith.constant 0 : i32
        %sign3A_510 = arith.cmpi sgt, %jit3A_500, %sign3A_509 : i32
        %sign3A_511 = arith.extui %sign3A_510 : i1 to i32
        %sign3A_512 = arith.constant 0 : i32
        %sign3A_513 = arith.cmpi slt, %jit3A_500, %sign3A_512 : i32
        %sign3A_514 = arith.extui %sign3A_513 : i1 to i32
        %sign3A_515 = arith.subi %sign3A_511, %sign3A_514 : i32
        %ne3A_516 = arith.cmpi ne, %sign3A_508, %sign3A_515 : i32
        %rem3A_517 = arith.remsi %add3A_499, %jit3A_500 : i32
        %ne3A_518 = arith.constant 0 : i32
        %ne3A_519 = arith.cmpi ne, %rem3A_517, %ne3A_518 : i32
        %and3A_520 = arith.andi %ne3A_516, %ne3A_519 : i1
        %sub3A_521 = arith.constant 1 : i32
        %sub3A_522 = arith.subi %div3A_501, %sub3A_521 : i32
        %select_n3A_523 = arith.select %and3A_520, %sub3A_522, %div3A_501 : i32
        %mul3A_524 = arith.constant 8 : i32
        %mul3A_525 = arith.muli %select_n3A_523, %mul3A_524 : i32
        %multiple_of3A_526 = tpu.assume_multiple %mul3A_525, 8 : i32
        %get3A_527 = arith.constant 0 : i32
        %get3A_528 = arith.index_cast %add3A_498 : i32 to index
        %get3A_529 = arith.index_cast %get3A_527 : i32 to index
        %get3A_530 = arith.constant 0 : index
        %get3A_531 = tpu.vector_load %arg5[%get3A_528, %get3A_529, %get3A_530] {strides = array<i32>} : memref<32x1x128xi32, #tpu.memory_space<vmem>>, vector<1x1x16xi32>,
        %get3A_532 = vector.shape_cast %get3A_531 : vector<1x1x16xi32> to vector<16xi32>
        %max3A_533 = arith.constant 0 : i32
        %max3A_534 = vector.broadcast %max3A_533 : i32 to vector<16xi32>
        %max3A_535 = arith.maxsi %get3A_532, %max3A_534 : vector<16xi32>
        %slice3A_536 = vector.extract_strided_slice %max3A_535 {offsets = [0], sizes = [1], strides = [1]} : vector<16xi32> to vector<1xi32>
        %squeeze3A_537 = vector.extract %slice3A_536[0] : i32 from vector<1xi32>
        %min3A_538 = arith.constant 97 : i32
        %min3A_539 = arith.minsi %squeeze3A_537, %min3A_538 : i32
        %mul3A_540 = arith.constant 1024 : i32
        %mul3A_541 = arith.muli %min3A_539, %mul3A_540 : i32
        %min3A_542 = arith.constant 98944 : i32
        %min3A_543 = arith.minsi %mul3A_541, %min3A_542 : i32
        %multiple_of3A_544 = tpu.assume_multiple %min3A_543, 128 : i32
        %dma_start3A_545 = arith.constant 0 : i32
        %dma_start3A_546 = arith.constant 0 : i32
        %dma_start3A_547 = arith.constant 0 : i32
        %dma_start3A_548 = tpu.memref_slice %arg6[%dma_start3A_545, %dma_start3A_546, %dma_start3A_547] : memref<5x8x1024xf32, #tpu.memory_space<vmem>> -> memref<1x8x1024xf32, #tpu.memory_space<vmem>>
        %dma_start3A_549 = tpu.memref_squeeze %dma_start3A_548 : memref<1x8x1024xf32, #tpu.memory_space<vmem>> -> memref<8x1024xf32, #tpu.memory_space<vmem>>
        %dma_start3A_550 = tpu.memref_slice %arg3[%multiple_of3A_526, %multiple_of3A_544] : memref<1024x100000xf32, #tpu.memory_space<hbm>> -> memref<8x1024xf32, #tpu.memory_space<hbm>>
        %dma_start3A_551 = arith.constant 0 : i32
        %dma_start3A_552 = arith.constant 0 : i32
        %dma_start3A_553 = tpu.memref_slice %arg6[%dma_start3A_545, %dma_start3A_551, %dma_start3A_552] : memref<5x8x1024xf32, #tpu.memory_space<vmem>> -> memref<1x8x1024xf32, #tpu.memory_space<vmem>>
        %dma_start3A_554 = tpu.memref_squeeze %dma_start3A_553 : memref<1x8x1024xf32, #tpu.memory_space<vmem>> -> memref<8x1024xf32, #tpu.memory_space<vmem>>
        %dma_start3A_555 = tpu.memref_slice %arg3[%multiple_of3A_526, %multiple_of3A_544] : memref<1024x100000xf32, #tpu.memory_space<hbm>> -> memref<8x1024xf32, #tpu.memory_space<hbm>>
        tpu.enqueue_dma source(%dma_start3A_555 : memref<8x1024xf32, #tpu.memory_space<hbm>>) target(%dma_start3A_554 : memref<8x1024xf32, #tpu.memory_space<vmem>>) target_semaphore(%arg9 : memref<!tpu.dma_semaphore, #tpu.memory_space<semaphore_mem>>)
        %slice3A_556 = vector.extract_strided_slice %max3A_535 {offsets = [1], sizes = [1], strides = [1]} : vector<16xi32> to vector<1xi32>
        %squeeze3A_557 = vector.extract %slice3A_556[0] : i32 from vector<1xi32>
        %min3A_558 = arith.constant 97 : i32
        %min3A_559 = arith.minsi %squeeze3A_557, %min3A_558 : i32
        %mul3A_560 = arith.constant 1024 : i32
        %mul3A_561 = arith.muli %min3A_559, %mul3A_560 : i32
        %min3A_562 = arith.constant 98944 : i32
        %min3A_563 = arith.minsi %mul3A_561, %min3A_562 : i32
        %multiple_of3A_564 = tpu.assume_multiple %min3A_563, 128 : i32
        %dma_start3A_565 = arith.constant 1 : i32
        %dma_start3A_566 = arith.constant 0 : i32
        %dma_start3A_567 = arith.constant 0 : i32
        %dma_start3A_568 = tpu.memref_slice %arg6[%dma_start3A_565, %dma_start3A_566, %dma_start3A_567] : memref<5x8x1024xf32, #tpu.memory_space<vmem>> -> memref<1x8x1024xf32, #tpu.memory_space<vmem>>
        %dma_start3A_569 = tpu.memref_squeeze %dma_start3A_568 : memref<1x8x1024xf32, #tpu.memory_space<vmem>> -> memref<8x1024xf32, #tpu.memory_space<vmem>>
        %dma_start3A_570 = tpu.memref_slice %arg3[%multiple_of3A_526, %multiple_of3A_564] : memref<1024x100000xf32, #tpu.memory_space<hbm>> -> memref<8x1024xf32, #tpu.memory_space<hbm>>
        %dma_start3A_571 = arith.constant 0 : i32
        %dma_start3A_572 = arith.constant 0 : i32
        %dma_start3A_573 = tpu.memref_slice %arg6[%dma_start3A_565, %dma_start3A_571, %dma_start3A_572] : memref<5x8x1024xf32, #tpu.memory_space<vmem>> -> memref<1x8x1024xf32, #tpu.memory_space<vmem>>
        %dma_start3A_574 = tpu.memref_squeeze %dma_start3A_573 : memref<1x8x1024xf32, #tpu.memory_space<vmem>> -> memref<8x1024xf32, #tpu.memory_space<vmem>>
        %dma_start3A_575 = tpu.memref_slice %arg3[%multiple_of3A_526, %multiple_of3A_564] : memref<1024x100000xf32, #tpu.memory_space<hbm>> -> memref<8x1024xf32, #tpu.memory_space<hbm>>
        tpu.enqueue_dma source(%dma_start3A_575 : memref<8x1024xf32, #tpu.memory_space<hbm>>) target(%dma_start3A_574 : memref<8x1024xf32, #tpu.memory_space<vmem>>) target_semaphore(%arg9 : memref<!tpu.dma_semaphore, #tpu.memory_space<semaphore_mem>>)
        %slice3A_576 = vector.extract_strided_slice %max3A_535 {offsets = [2], sizes = [1], strides = [1]} : vector<16xi32> to vector<1xi32>
        %squeeze3A_577 = vector.extract %slice3A_576[0] : i32 from vector<1xi32>
        %min3A_578 = arith.constant 97 : i32
        %min3A_579 = arith.minsi %squeeze3A_577, %min3A_578 : i32
        %mul3A_580 = arith.constant 1024 : i32
        %mul3A_581 = arith.muli %min3A_579, %mul3A_580 : i32
        %min3A_582 = arith.constant 98944 : i32
        %min3A_583 = arith.minsi %mul3A_581, %min3A_582 : i32
        %multiple_of3A_584 = tpu.assume_multiple %min3A_583, 128 : i32
        %dma_start3A_585 = arith.constant 2 : i32
        %dma_start3A_586 = arith.constant 0 : i32
        %dma_start3A_587 = arith.constant 0 : i32
        %dma_start3A_588 = tpu.memref_slice %arg6[%dma_start3A_585, %dma_start3A_586, %dma_start3A_587] : memref<5x8x1024xf32, #tpu.memory_space<vmem>> -> memref<1x8x1024xf32, #tpu.memory_space<vmem>>
        %dma_start3A_589 = tpu.memref_squeeze %dma_start3A_588 : memref<1x8x1024xf32, #tpu.memory_space<vmem>> -> memref<8x1024xf32, #tpu.memory_space<vmem>>
        %dma_start3A_590 = tpu.memref_slice %arg3[%multiple_of3A_526, %multiple_of3A_584] : memref<1024x100000xf32, #tpu.memory_space<hbm>> -> memref<8x1024xf32, #tpu.memory_space<hbm>>
        %dma_start3A_591 = arith.constant 0 : i32
        %dma_start3A_592 = arith.constant 0 : i32
        %dma_start3A_593 = tpu.memref_slice %arg6[%dma_start3A_585, %dma_start3A_591, %dma_start3A_592] : memref<5x8x1024xf32, #tpu.memory_space<vmem>> -> memref<1x8x1024xf32, #tpu.memory_space<vmem>>
        %dma_start3A_594 = tpu.memref_squeeze %dma_start3A_593 : memref<1x8x1024xf32, #tpu.memory_space<vmem>> -> memref<8x1024xf32, #tpu.memory_space<vmem>>
        %dma_start3A_595 = tpu.memref_slice %arg3[%multiple_of3A_526, %multiple_of3A_584] : memref<1024x100000xf32, #tpu.memory_space<hbm>> -> memref<8x1024xf32, #tpu.memory_space<hbm>>
        tpu.enqueue_dma source(%dma_start3A_595 : memref<8x1024xf32, #tpu.memory_space<hbm>>) target(%dma_start3A_594 : memref<8x1024xf32, #tpu.memory_space<vmem>>) target_semaphore(%arg9 : memref<!tpu.dma_semaphore, #tpu.memory_space<semaphore_mem>>)
        %slice3A_596 = vector.extract_strided_slice %max3A_535 {offsets = [3], sizes = [1], strides = [1]} : vector<16xi32> to vector<1xi32>
        %squeeze3A_597 = vector.extract %slice3A_596[0] : i32 from vector<1xi32>
        %min3A_598 = arith.constant 97 : i32
        %min3A_599 = arith.minsi %squeeze3A_597, %min3A_598 : i32
        %mul3A_600 = arith.constant 1024 : i32
        %mul3A_601 = arith.muli %min3A_599, %mul3A_600 : i32
        %min3A_602 = arith.constant 98944 : i32
        %min3A_603 = arith.minsi %mul3A_601, %min3A_602 : i32
        %multiple_of3A_604 = tpu.assume_multiple %min3A_603, 128 : i32
        %dma_start3A_605 = arith.constant 3 : i32
        %dma_start3A_606 = arith.constant 0 : i32
        %dma_start3A_607 = arith.constant 0 : i32
        %dma_start3A_608 = tpu.memref_slice %arg6[%dma_start3A_605, %dma_start3A_606, %dma_start3A_607] : memref<5x8x1024xf32, #tpu.memory_space<vmem>> -> memref<1x8x1024xf32, #tpu.memory_space<vmem>>
        %dma_start3A_609 = tpu.memref_squeeze %dma_start3A_608 : memref<1x8x1024xf32, #tpu.memory_space<vmem>> -> memref<8x1024xf32, #tpu.memory_space<vmem>>
        %dma_start3A_610 = tpu.memref_slice %arg3[%multiple_of3A_526, %multiple_of3A_604] : memref<1024x100000xf32, #tpu.memory_space<hbm>> -> memref<8x1024xf32, #tpu.memory_space<hbm>>
        %dma_start3A_611 = arith.constant 0 : i32
        %dma_start3A_612 = arith.constant 0 : i32
        %dma_start3A_613 = tpu.memref_slice %arg6[%dma_start3A_605, %dma_start3A_611, %dma_start3A_612] : memref<5x8x1024xf32, #tpu.memory_space<vmem>> -> memref<1x8x1024xf32, #tpu.memory_space<vmem>>
        %dma_start3A_614 = tpu.memref_squeeze %dma_start3A_613 : memref<1x8x1024xf32, #tpu.memory_space<vmem>> -> memref<8x1024xf32, #tpu.memory_space<vmem>>
        %dma_start3A_615 = tpu.memref_slice %arg3[%multiple_of3A_526, %multiple_of3A_604] : memref<1024x100000xf32, #tpu.memory_space<hbm>> -> memref<8x1024xf32, #tpu.memory_space<hbm>>
        tpu.enqueue_dma source(%dma_start3A_615 : memref<8x1024xf32, #tpu.memory_space<hbm>>) target(%dma_start3A_614 : memref<8x1024xf32, #tpu.memory_space<vmem>>) target_semaphore(%arg9 : memref<!tpu.dma_semaphore, #tpu.memory_space<semaphore_mem>>)
        %slice3A_616 = vector.extract_strided_slice %max3A_535 {offsets = [4], sizes = [1], strides = [1]} : vector<16xi32> to vector<1xi32>
        %squeeze3A_617 = vector.extract %slice3A_616[0] : i32 from vector<1xi32>
        %min3A_618 = arith.constant 97 : i32
        %min3A_619 = arith.minsi %squeeze3A_617, %min3A_618 : i32
        %mul3A_620 = arith.constant 1024 : i32
        %mul3A_621 = arith.muli %min3A_619, %mul3A_620 : i32
        %min3A_622 = arith.constant 98944 : i32
        %min3A_623 = arith.minsi %mul3A_621, %min3A_622 : i32
        %multiple_of3A_624 = tpu.assume_multiple %min3A_623, 128 : i32
        %dma_start3A_625 = arith.constant 4 : i32
        %dma_start3A_626 = arith.constant 0 : i32
        %dma_start3A_627 = arith.constant 0 : i32
        %dma_start3A_628 = tpu.memref_slice %arg6[%dma_start3A_625, %dma_start3A_626, %dma_start3A_627] : memref<5x8x1024xf32, #tpu.memory_space<vmem>> -> memref<1x8x1024xf32, #tpu.memory_space<vmem>>
        %dma_start3A_629 = tpu.memref_squeeze %dma_start3A_628 : memref<1x8x1024xf32, #tpu.memory_space<vmem>> -> memref<8x1024xf32, #tpu.memory_space<vmem>>
        %dma_start3A_630 = tpu.memref_slice %arg3[%multiple_of3A_526, %multiple_of3A_624] : memref<1024x100000xf32, #tpu.memory_space<hbm>> -> memref<8x1024xf32, #tpu.memory_space<hbm>>
        %dma_start3A_631 = arith.constant 0 : i32
        %dma_start3A_632 = arith.constant 0 : i32
        %dma_start3A_633 = tpu.memref_slice %arg6[%dma_start3A_625, %dma_start3A_631, %dma_start3A_632] : memref<5x8x1024xf32, #tpu.memory_space<vmem>> -> memref<1x8x1024xf32, #tpu.memory_space<vmem>>
        %dma_start3A_634 = tpu.memref_squeeze %dma_start3A_633 : memref<1x8x1024xf32, #tpu.memory_space<vmem>> -> memref<8x1024xf32, #tpu.memory_space<vmem>>
        %dma_start3A_635 = tpu.memref_slice %arg3[%multiple_of3A_526, %multiple_of3A_624] : memref<1024x100000xf32, #tpu.memory_space<hbm>> -> memref<8x1024xf32, #tpu.memory_space<hbm>>
        tpu.enqueue_dma source(%dma_start3A_635 : memref<8x1024xf32, #tpu.memory_space<hbm>>) target(%dma_start3A_634 : memref<8x1024xf32, #tpu.memory_space<vmem>>) target_semaphore(%arg9 : memref<!tpu.dma_semaphore, #tpu.memory_space<semaphore_mem>>)
      } else {
      }
      %dma_wait3A_386 = arith.constant 0 : i32
      %dma_wait3A_387 = arith.constant 0 : i32
      %dma_wait3A_388 = arith.constant 0 : i32
      %dma_wait3A_389 = tpu.memref_slice %arg7[%dma_wait3A_386, %dma_wait3A_387, %dma_wait3A_388] : memref<5x8x1024xf32, #tpu.memory_space<vmem>> -> memref<1x8x1024xf32, #tpu.memory_space<vmem>>
      %dma_wait3A_390 = tpu.memref_squeeze %dma_wait3A_389 : memref<1x8x1024xf32, #tpu.memory_space<vmem>> -> memref<8x1024xf32, #tpu.memory_space<vmem>>
      %dma_wait3A_391 = arith.constant 0 : i32
      %dma_wait3A_392 = arith.constant 0 : i32
      %dma_wait3A_393 = tpu.memref_slice %arg3[%dma_wait3A_391, %dma_wait3A_392] : memref<1024x100000xf32, #tpu.memory_space<hbm>> -> memref<8x1024xf32, #tpu.memory_space<hbm>>
      %dma_wait3A_394 = arith.constant 0 : i32
      %dma_wait3A_395 = arith.constant 0 : i32
      %dma_wait3A_396 = tpu.memref_slice %arg7[%dma_wait3A_386, %dma_wait3A_394, %dma_wait3A_395] : memref<5x8x1024xf32, #tpu.memory_space<vmem>> -> memref<1x8x1024xf32, #tpu.memory_space<vmem>>
      %dma_wait3A_397 = tpu.memref_squeeze %dma_wait3A_396 : memref<1x8x1024xf32, #tpu.memory_space<vmem>> -> memref<8x1024xf32, #tpu.memory_space<vmem>>
      %dma_wait3A_398 = arith.constant 0 : i32
      %dma_wait3A_399 = arith.constant 0 : i32
      %dma_wait3A_400 = tpu.memref_slice %arg3[%dma_wait3A_398, %dma_wait3A_399] : memref<1024x100000xf32, #tpu.memory_space<hbm>> -> memref<8x1024xf32, #tpu.memory_space<hbm>>
      tpu.wait_dma2 semaphore(%arg10 : memref<!tpu.dma_semaphore, #tpu.memory_space<semaphore_mem>>) src(%dma_wait3A_400 : memref<8x1024xf32, #tpu.memory_space<hbm>>) dst(%dma_wait3A_397 : memref<8x1024xf32, #tpu.memory_space<vmem>>)
      %dma_wait3A_401 = arith.constant 1 : i32
      %dma_wait3A_402 = arith.constant 0 : i32
      %dma_wait3A_403 = arith.constant 0 : i32
      %dma_wait3A_404 = tpu.memref_slice %arg7[%dma_wait3A_401, %dma_wait3A_402, %dma_wait3A_403] : memref<5x8x1024xf32, #tpu.memory_space<vmem>> -> memref<1x8x1024xf32, #tpu.memory_space<vmem>>
      %dma_wait3A_405 = tpu.memref_squeeze %dma_wait3A_404 : memref<1x8x1024xf32, #tpu.memory_space<vmem>> -> memref<8x1024xf32, #tpu.memory_space<vmem>>
      %dma_wait3A_406 = arith.constant 0 : i32
      %dma_wait3A_407 = arith.constant 0 : i32
      %dma_wait3A_408 = tpu.memref_slice %arg3[%dma_wait3A_406, %dma_wait3A_407] : memref<1024x100000xf32, #tpu.memory_space<hbm>> -> memref<8x1024xf32, #tpu.memory_space<hbm>>
      %dma_wait3A_409 = arith.constant 0 : i32
      %dma_wait3A_410 = arith.constant 0 : i32
      %dma_wait3A_411 = tpu.memref_slice %arg7[%dma_wait3A_401, %dma_wait3A_409, %dma_wait3A_410] : memref<5x8x1024xf32, #tpu.memory_space<vmem>> -> memref<1x8x1024xf32, #tpu.memory_space<vmem>>
      %dma_wait3A_412 = tpu.memref_squeeze %dma_wait3A_411 : memref<1x8x1024xf32, #tpu.memory_space<vmem>> -> memref<8x1024xf32, #tpu.memory_space<vmem>>
      %dma_wait3A_413 = arith.constant 0 : i32
      %dma_wait3A_414 = arith.constant 0 : i32
      %dma_wait3A_415 = tpu.memref_slice %arg3[%dma_wait3A_413, %dma_wait3A_414] : memref<1024x100000xf32, #tpu.memory_space<hbm>> -> memref<8x1024xf32, #tpu.memory_space<hbm>>
      tpu.wait_dma2 semaphore(%arg10 : memref<!tpu.dma_semaphore, #tpu.memory_space<semaphore_mem>>) src(%dma_wait3A_415 : memref<8x1024xf32, #tpu.memory_space<hbm>>) dst(%dma_wait3A_412 : memref<8x1024xf32, #tpu.memory_space<vmem>>)
      %dma_wait3A_416 = arith.constant 2 : i32
      %dma_wait3A_417 = arith.constant 0 : i32
      %dma_wait3A_418 = arith.constant 0 : i32
      %dma_wait3A_419 = tpu.memref_slice %arg7[%dma_wait3A_416, %dma_wait3A_417, %dma_wait3A_418] : memref<5x8x1024xf32, #tpu.memory_space<vmem>> -> memref<1x8x1024xf32, #tpu.memory_space<vmem>>
      %dma_wait3A_420 = tpu.memref_squeeze %dma_wait3A_419 : memref<1x8x1024xf32, #tpu.memory_space<vmem>> -> memref<8x1024xf32, #tpu.memory_space<vmem>>
      %dma_wait3A_421 = arith.constant 0 : i32
      %dma_wait3A_422 = arith.constant 0 : i32
      %dma_wait3A_423 = tpu.memref_slice %arg3[%dma_wait3A_421, %dma_wait3A_422] : memref<1024x100000xf32, #tpu.memory_space<hbm>> -> memref<8x1024xf32, #tpu.memory_space<hbm>>
      %dma_wait3A_424 = arith.constant 0 : i32
      %dma_wait3A_425 = arith.constant 0 : i32
      %dma_wait3A_426 = tpu.memref_slice %arg7[%dma_wait3A_416, %dma_wait3A_424, %dma_wait3A_425] : memref<5x8x1024xf32, #tpu.memory_space<vmem>> -> memref<1x8x1024xf32, #tpu.memory_space<vmem>>
      %dma_wait3A_427 = tpu.memref_squeeze %dma_wait3A_426 : memref<1x8x1024xf32, #tpu.memory_space<vmem>> -> memref<8x1024xf32, #tpu.memory_space<vmem>>
      %dma_wait3A_428 = arith.constant 0 : i32
      %dma_wait3A_429 = arith.constant 0 : i32
      %dma_wait3A_430 = tpu.memref_slice %arg3[%dma_wait3A_428, %dma_wait3A_429] : memref<1024x100000xf32, #tpu.memory_space<hbm>> -> memref<8x1024xf32, #tpu.memory_space<hbm>>
      tpu.wait_dma2 semaphore(%arg10 : memref<!tpu.dma_semaphore, #tpu.memory_space<semaphore_mem>>) src(%dma_wait3A_430 : memref<8x1024xf32, #tpu.memory_space<hbm>>) dst(%dma_wait3A_427 : memref<8x1024xf32, #tpu.memory_space<vmem>>)
      %dma_wait3A_431 = arith.constant 3 : i32
      %dma_wait3A_432 = arith.constant 0 : i32
      %dma_wait3A_433 = arith.constant 0 : i32
      %dma_wait3A_434 = tpu.memref_slice %arg7[%dma_wait3A_431, %dma_wait3A_432, %dma_wait3A_433] : memref<5x8x1024xf32, #tpu.memory_space<vmem>> -> memref<1x8x1024xf32, #tpu.memory_space<vmem>>
      %dma_wait3A_435 = tpu.memref_squeeze %dma_wait3A_434 : memref<1x8x1024xf32, #tpu.memory_space<vmem>> -> memref<8x1024xf32, #tpu.memory_space<vmem>>
      %dma_wait3A_436 = arith.constant 0 : i32
      %dma_wait3A_437 = arith.constant 0 : i32
      %dma_wait3A_438 = tpu.memref_slice %arg3[%dma_wait3A_436, %dma_wait3A_437] : memref<1024x100000xf32, #tpu.memory_space<hbm>> -> memref<8x1024xf32, #tpu.memory_space<hbm>>
      %dma_wait3A_439 = arith.constant 0 : i32
      %dma_wait3A_440 = arith.constant 0 : i32
      %dma_wait3A_441 = tpu.memref_slice %arg7[%dma_wait3A_431, %dma_wait3A_439, %dma_wait3A_440] : memref<5x8x1024xf32, #tpu.memory_space<vmem>> -> memref<1x8x1024xf32, #tpu.memory_space<vmem>>
      %dma_wait3A_442 = tpu.memref_squeeze %dma_wait3A_441 : memref<1x8x1024xf32, #tpu.memory_space<vmem>> -> memref<8x1024xf32, #tpu.memory_space<vmem>>
      %dma_wait3A_443 = arith.constant 0 : i32
      %dma_wait3A_444 = arith.constant 0 : i32
      %dma_wait3A_445 = tpu.memref_slice %arg3[%dma_wait3A_443, %dma_wait3A_444] : memref<1024x100000xf32, #tpu.memory_space<hbm>> -> memref<8x1024xf32, #tpu.memory_space<hbm>>
      tpu.wait_dma2 semaphore(%arg10 : memref<!tpu.dma_semaphore, #tpu.memory_space<semaphore_mem>>) src(%dma_wait3A_445 : memref<8x1024xf32, #tpu.memory_space<hbm>>) dst(%dma_wait3A_442 : memref<8x1024xf32, #tpu.memory_space<vmem>>)
      %dma_wait3A_446 = arith.constant 4 : i32
      %dma_wait3A_447 = arith.constant 0 : i32
      %dma_wait3A_448 = arith.constant 0 : i32
      %dma_wait3A_449 = tpu.memref_slice %arg7[%dma_wait3A_446, %dma_wait3A_447, %dma_wait3A_448] : memref<5x8x1024xf32, #tpu.memory_space<vmem>> -> memref<1x8x1024xf32, #tpu.memory_space<vmem>>
      %dma_wait3A_450 = tpu.memref_squeeze %dma_wait3A_449 : memref<1x8x1024xf32, #tpu.memory_space<vmem>> -> memref<8x1024xf32, #tpu.memory_space<vmem>>
      %dma_wait3A_451 = arith.constant 0 : i32
      %dma_wait3A_452 = arith.constant 0 : i32
      %dma_wait3A_453 = tpu.memref_slice %arg3[%dma_wait3A_451, %dma_wait3A_452] : memref<1024x100000xf32, #tpu.memory_space<hbm>> -> memref<8x1024xf32, #tpu.memory_space<hbm>>
      %dma_wait3A_454 = arith.constant 0 : i32
      %dma_wait3A_455 = arith.constant 0 : i32
      %dma_wait3A_456 = tpu.memref_slice %arg7[%dma_wait3A_446, %dma_wait3A_454, %dma_wait3A_455] : memref<5x8x1024xf32, #tpu.memory_space<vmem>> -> memref<1x8x1024xf32, #tpu.memory_space<vmem>>
      %dma_wait3A_457 = tpu.memref_squeeze %dma_wait3A_456 : memref<1x8x1024xf32, #tpu.memory_space<vmem>> -> memref<8x1024xf32, #tpu.memory_space<vmem>>
      %dma_wait3A_458 = arith.constant 0 : i32
      %dma_wait3A_459 = arith.constant 0 : i32
      %dma_wait3A_460 = tpu.memref_slice %arg3[%dma_wait3A_458, %dma_wait3A_459] : memref<1024x100000xf32, #tpu.memory_space<hbm>> -> memref<8x1024xf32, #tpu.memory_space<hbm>>
      tpu.wait_dma2 semaphore(%arg10 : memref<!tpu.dma_semaphore, #tpu.memory_space<semaphore_mem>>) src(%dma_wait3A_460 : memref<8x1024xf32, #tpu.memory_space<hbm>>) dst(%dma_wait3A_457 : memref<8x1024xf32, #tpu.memory_space<vmem>>)
      %add3A_461 = arith.constant 1 : i32
      %add3A_462 = arith.addi %mul3A_134, %add3A_461 : i32
      %add3A_463 = arith.addi %mul3A_2, %add3A_462 : i32
      %jit3A_464 = arith.constant 8 : i32
      %div3A_465 = arith.divsi %add3A_463, %jit3A_464 : i32
      %sign3A_466 = arith.constant 0 : i32
      %sign3A_467 = arith.cmpi sgt, %add3A_463, %sign3A_466 : i32
      %sign3A_468 = arith.extui %sign3A_467 : i1 to i32
      %sign3A_469 = arith.constant 0 : i32
      %sign3A_470 = arith.cmpi slt, %add3A_463, %sign3A_469 : i32
      %sign3A_471 = arith.extui %sign3A_470 : i1 to i32
      %sign3A_472 = arith.subi %sign3A_468, %sign3A_471 : i32
      %sign3A_473 = arith.constant 0 : i32
      %sign3A_474 = arith.cmpi sgt, %jit3A_464, %sign3A_473 : i32
      %sign3A_475 = arith.extui %sign3A_474 : i1 to i32
      %sign3A_476 = arith.constant 0 : i32
      %sign3A_477 = arith.cmpi slt, %jit3A_464, %sign3A_476 : i32
      %sign3A_478 = arith.extui %sign3A_477 : i1 to i32
      %sign3A_479 = arith.subi %sign3A_475, %sign3A_478 : i32
      %ne3A_480 = arith.cmpi ne, %sign3A_472, %sign3A_479 : i32
      %rem3A_481 = arith.remsi %add3A_463, %jit3A_464 : i32
      %ne3A_482 = arith.constant 0 : i32
      %ne3A_483 = arith.cmpi ne, %rem3A_481, %ne3A_482 : i32
      %and3A_484 = arith.andi %ne3A_480, %ne3A_483 : i1
      %sub3A_485 = arith.constant 1 : i32
      %sub3A_486 = arith.subi %div3A_465, %sub3A_485 : i32
      %select_n3A_487 = arith.select %and3A_484, %sub3A_486, %div3A_465 : i32
      %mul3A_488 = arith.constant 8 : i32
      %mul3A_489 = arith.muli %select_n3A_487, %mul3A_488 : i32
      %sub3A_490 = arith.subi %add3A_463, %mul3A_489 : i32
      %scan3A_491 = arith.constant 0 : i32
      %scan3A_492 = arith.constant 0 : i32
      %scan3A_493 = arith.constant 64 : i32
      %scan3A_494 = arith.addi %scan3A_492, %scan3A_493 : i32
      %scan3A_495 = arith.constant 1 : i32
      scf.for %scan3A_497 = %scan3A_492 to %scan3A_494 step %scan3A_495  : i32 {
        %mul3A_498 = arith.constant 16 : i32
        %mul3A_499 = arith.muli %scan3A_497, %mul3A_498 : i32
        %get3A_500 = arith.constant 0 : i32
        %get3A_501 = arith.index_cast %get3A_500 : i32 to index
        %get3A_502 = arith.index_cast %sub3A_490 : i32 to index
        %get3A_503 = arith.index_cast %mul3A_499 : i32 to index
        %get3A_504 = tpu.vector_load %arg7[%get3A_501, %get3A_502, %get3A_503] {strides = array<i32>} : memref<5x8x1024xf32, #tpu.memory_space<vmem>>, vector<1x1x16xf32>,
        %get3A_505 = vector.shape_cast %get3A_504 : vector<1x1x16xf32> to vector<16xf32>
        %mul3A_506 = arith.constant 16 : i32
        %mul3A_507 = arith.muli %scan3A_497, %mul3A_506 : i32
        %swap3A = arith.constant 0 : i32
        %swap3A_508 = arith.index_cast %swap3A : i32 to index
        %swap3A_509 = arith.index_cast %mul3A_507 : i32 to index
        %swap3A_510 = tpu.vector_load %arg8[%swap3A_508, %swap3A_509] {strides = array<i32>} : memref<5x1024xf32, #tpu.memory_space<vmem>>, vector<1x16xf32>,
        %swap3A_511 = vector.shape_cast %swap3A_510 : vector<1x16xf32> to vector<16xf32>
        %swap3A_512 = vector.shape_cast %get3A_505 : vector<16xf32> to vector<1x16xf32>
        tpu.vector_store %arg8[%swap3A_508, %swap3A_509], %swap3A_512 {strides = array<i32>} : memref<5x1024xf32, #tpu.memory_space<vmem>>, vector<1x16xf32>,
        %mul3A_513 = arith.constant 16 : i32
        %mul3A_514 = arith.muli %scan3A_497, %mul3A_513 : i32
        %get3A_515 = arith.constant 1 : i32
        %get3A_516 = arith.index_cast %get3A_515 : i32 to index
        %get3A_517 = arith.index_cast %sub3A_490 : i32 to index
        %get3A_518 = arith.index_cast %mul3A_514 : i32 to index
        %get3A_519 = tpu.vector_load %arg7[%get3A_516, %get3A_517, %get3A_518] {strides = array<i32>} : memref<5x8x1024xf32, #tpu.memory_space<vmem>>, vector<1x1x16xf32>,
        %get3A_520 = vector.shape_cast %get3A_519 : vector<1x1x16xf32> to vector<16xf32>
        %mul3A_521 = arith.constant 16 : i32
        %mul3A_522 = arith.muli %scan3A_497, %mul3A_521 : i32
        %swap3A_523 = arith.constant 1 : i32
        %swap3A_524 = arith.index_cast %swap3A_523 : i32 to index
        %swap3A_525 = arith.index_cast %mul3A_522 : i32 to index
        %swap3A_526 = tpu.vector_load %arg8[%swap3A_524, %swap3A_525] {strides = array<i32>} : memref<5x1024xf32, #tpu.memory_space<vmem>>, vector<1x16xf32>,
        %swap3A_527 = vector.shape_cast %swap3A_526 : vector<1x16xf32> to vector<16xf32>
        %swap3A_528 = vector.shape_cast %get3A_520 : vector<16xf32> to vector<1x16xf32>
        tpu.vector_store %arg8[%swap3A_524, %swap3A_525], %swap3A_528 {strides = array<i32>} : memref<5x1024xf32, #tpu.memory_space<vmem>>, vector<1x16xf32>,
        %mul3A_529 = arith.constant 16 : i32
        %mul3A_530 = arith.muli %scan3A_497, %mul3A_529 : i32
        %get3A_531 = arith.constant 2 : i32
        %get3A_532 = arith.index_cast %get3A_531 : i32 to index
        %get3A_533 = arith.index_cast %sub3A_490 : i32 to index
        %get3A_534 = arith.index_cast %mul3A_530 : i32 to index
        %get3A_535 = tpu.vector_load %arg7[%get3A_532, %get3A_533, %get3A_534] {strides = array<i32>} : memref<5x8x1024xf32, #tpu.memory_space<vmem>>, vector<1x1x16xf32>,
        %get3A_536 = vector.shape_cast %get3A_535 : vector<1x1x16xf32> to vector<16xf32>
        %mul3A_537 = arith.constant 16 : i32
        %mul3A_538 = arith.muli %scan3A_497, %mul3A_537 : i32
        %swap3A_539 = arith.constant 2 : i32
        %swap3A_540 = arith.index_cast %swap3A_539 : i32 to index
        %swap3A_541 = arith.index_cast %mul3A_538 : i32 to index
        %swap3A_542 = tpu.vector_load %arg8[%swap3A_540, %swap3A_541] {strides = array<i32>} : memref<5x1024xf32, #tpu.memory_space<vmem>>, vector<1x16xf32>,
        %swap3A_543 = vector.shape_cast %swap3A_542 : vector<1x16xf32> to vector<16xf32>
        %swap3A_544 = vector.shape_cast %get3A_536 : vector<16xf32> to vector<1x16xf32>
        tpu.vector_store %arg8[%swap3A_540, %swap3A_541], %swap3A_544 {strides = array<i32>} : memref<5x1024xf32, #tpu.memory_space<vmem>>, vector<1x16xf32>,
        %mul3A_545 = arith.constant 16 : i32
        %mul3A_546 = arith.muli %scan3A_497, %mul3A_545 : i32
        %get3A_547 = arith.constant 3 : i32
        %get3A_548 = arith.index_cast %get3A_547 : i32 to index
        %get3A_549 = arith.index_cast %sub3A_490 : i32 to index
        %get3A_550 = arith.index_cast %mul3A_546 : i32 to index
        %get3A_551 = tpu.vector_load %arg7[%get3A_548, %get3A_549, %get3A_550] {strides = array<i32>} : memref<5x8x1024xf32, #tpu.memory_space<vmem>>, vector<1x1x16xf32>,
        %get3A_552 = vector.shape_cast %get3A_551 : vector<1x1x16xf32> to vector<16xf32>
        %mul3A_553 = arith.constant 16 : i32
        %mul3A_554 = arith.muli %scan3A_497, %mul3A_553 : i32
        %swap3A_555 = arith.constant 3 : i32
        %swap3A_556 = arith.index_cast %swap3A_555 : i32 to index
        %swap3A_557 = arith.index_cast %mul3A_554 : i32 to index
        %swap3A_558 = tpu.vector_load %arg8[%swap3A_556, %swap3A_557] {strides = array<i32>} : memref<5x1024xf32, #tpu.memory_space<vmem>>, vector<1x16xf32>,
        %swap3A_559 = vector.shape_cast %swap3A_558 : vector<1x16xf32> to vector<16xf32>
        %swap3A_560 = vector.shape_cast %get3A_552 : vector<16xf32> to vector<1x16xf32>
        tpu.vector_store %arg8[%swap3A_556, %swap3A_557], %swap3A_560 {strides = array<i32>} : memref<5x1024xf32, #tpu.memory_space<vmem>>, vector<1x16xf32>,
        %mul3A_561 = arith.constant 16 : i32
        %mul3A_562 = arith.muli %scan3A_497, %mul3A_561 : i32
        %get3A_563 = arith.constant 4 : i32
        %get3A_564 = arith.index_cast %get3A_563 : i32 to index
        %get3A_565 = arith.index_cast %sub3A_490 : i32 to index
        %get3A_566 = arith.index_cast %mul3A_562 : i32 to index
        %get3A_567 = tpu.vector_load %arg7[%get3A_564, %get3A_565, %get3A_566] {strides = array<i32>} : memref<5x8x1024xf32, #tpu.memory_space<vmem>>, vector<1x1x16xf32>,
        %get3A_568 = vector.shape_cast %get3A_567 : vector<1x1x16xf32> to vector<16xf32>
        %mul3A_569 = arith.constant 16 : i32
        %mul3A_570 = arith.muli %scan3A_497, %mul3A_569 : i32
        %swap3A_571 = arith.constant 4 : i32
        %swap3A_572 = arith.index_cast %swap3A_571 : i32 to index
        %swap3A_573 = arith.index_cast %mul3A_570 : i32 to index
        %swap3A_574 = tpu.vector_load %arg8[%swap3A_572, %swap3A_573] {strides = array<i32>} : memref<5x1024xf32, #tpu.memory_space<vmem>>, vector<1x16xf32>,
        %swap3A_575 = vector.shape_cast %swap3A_574 : vector<1x16xf32> to vector<16xf32>
        %swap3A_576 = vector.shape_cast %get3A_568 : vector<16xf32> to vector<1x16xf32>
        tpu.vector_store %arg8[%swap3A_572, %swap3A_573], %swap3A_576 {strides = array<i32>} : memref<5x1024xf32, #tpu.memory_space<vmem>>, vector<1x16xf32>,
      }
      %scan3A_496 = arith.constant 64 : i32
      "tpu.region"() ({
        %run_scoped3A = tpu.sem_alloc : memref<!tpu.dma_semaphore, #tpu.memory_space<semaphore_mem>>
        %dma_start3A_497 = arith.constant 0 : i32
        %dma_start3A_498 = arith.constant 0 : i32
        %dma_start3A_499 = tpu.memref_slice %arg4[%add3A_463, %dma_start3A_497, %dma_start3A_498] : memref<1024x5x1024xf32, #tpu.memory_space<hbm>> -> memref<1x5x1024xf32, #tpu.memory_space<hbm>>
        %dma_start3A_500 = tpu.memref_squeeze %dma_start3A_499 : memref<1x5x1024xf32, #tpu.memory_space<hbm>> -> memref<5x1024xf32, #tpu.memory_space<hbm>>
        %dma_start3A_501 = arith.constant 0 : i32
        %dma_start3A_502 = arith.constant 0 : i32
        %dma_start3A_503 = tpu.memref_slice %arg4[%add3A_463, %dma_start3A_501, %dma_start3A_502] : memref<1024x5x1024xf32, #tpu.memory_space<hbm>> -> memref<1x5x1024xf32, #tpu.memory_space<hbm>>
        %dma_start3A_504 = tpu.memref_squeeze %dma_start3A_503 : memref<1x5x1024xf32, #tpu.memory_space<hbm>> -> memref<5x1024xf32, #tpu.memory_space<hbm>>
        tpu.enqueue_dma source(%arg8 : memref<5x1024xf32, #tpu.memory_space<vmem>>) target(%dma_start3A_504 : memref<5x1024xf32, #tpu.memory_space<hbm>>) target_semaphore(%run_scoped3A : memref<!tpu.dma_semaphore, #tpu.memory_space<semaphore_mem>>)
        %dma_wait3A_505 = arith.constant 0 : i32
        %dma_wait3A_506 = arith.constant 0 : i32
        %dma_wait3A_507 = tpu.memref_slice %arg4[%add3A_463, %dma_wait3A_505, %dma_wait3A_506] : memref<1024x5x1024xf32, #tpu.memory_space<hbm>> -> memref<1x5x1024xf32, #tpu.memory_space<hbm>>
        %dma_wait3A_508 = tpu.memref_squeeze %dma_wait3A_507 : memref<1x5x1024xf32, #tpu.memory_space<hbm>> -> memref<5x1024xf32, #tpu.memory_space<hbm>>
        %dma_wait3A_509 = arith.constant 0 : i32
        %dma_wait3A_510 = arith.constant 0 : i32
        %dma_wait3A_511 = tpu.memref_slice %arg4[%add3A_463, %dma_wait3A_509, %dma_wait3A_510] : memref<1024x5x1024xf32, #tpu.memory_space<hbm>> -> memref<1x5x1024xf32, #tpu.memory_space<hbm>>
        %dma_wait3A_512 = tpu.memref_squeeze %dma_wait3A_511 : memref<1x5x1024xf32, #tpu.memory_space<hbm>> -> memref<5x1024xf32, #tpu.memory_space<hbm>>
        tpu.wait_dma2 semaphore(%run_scoped3A : memref<!tpu.dma_semaphore, #tpu.memory_space<semaphore_mem>>) src(%arg8 : memref<5x1024xf32, #tpu.memory_space<vmem>>) dst(%dma_wait3A_512 : memref<5x1024xf32, #tpu.memory_space<hbm>>)
        tpu.yield
      }) : () -> ()
    }
    %scan3A_131 = arith.constant 16 : i32
    return
  }
}

module attributes {stable_mosaic.version = 14 : i64} {
  func.func @_pass2_body(%arg0: i32, %arg1: memref<1024x128xf32, #tpu.memory_space<vmem>>, %arg2: memref<2048x128xf32, #tpu.memory_space<vmem>>, %arg3: memref<1024x128xf32, #tpu.memory_space<vmem>>, %arg4: memref<1024x128xf32, #tpu.memory_space<vmem>>, %arg5: memref<1024x128xf32, #tpu.memory_space<vmem>>, %arg6: memref<1024x2048xf32, #tpu.memory_space<vmem>>, %arg7: memref<1024x128xf32, #tpu.memory_space<vmem>>, %arg8: memref<1024x128xf32, #tpu.memory_space<vmem>>, %arg9: memref<1024x128xf32, #tpu.memory_space<vmem>>, %arg10: memref<1024x128xf32, #tpu.memory_space<vmem>>) attributes {dimension_semantics = [#tpu.dimension_semantics<arbitrary>], iteration_bounds = array<i64: 49>, scalar_prefetch = 0 : i64, scratch_operands = 2 : i64, tpu.core_type = #tpu.core_type<tc>, window_params = [{pipeline_mode = #tpu.pipeline_mode<synchronous>, transform_indices = @transform_0, window_bounds = array<i64: 1024, 128>}, {transform_indices = @transform_1, window_bounds = array<i64: 2048, 128>}, {pipeline_mode = #tpu.pipeline_mode<synchronous>, transform_indices = @transform_2, window_bounds = array<i64: 1024, 128>}, {pipeline_mode = #tpu.pipeline_mode<synchronous>, transform_indices = @transform_3, window_bounds = array<i64: 1024, 128>}, {pipeline_mode = #tpu.pipeline_mode<synchronous>, transform_indices = @transform_4, window_bounds = array<i64: 1024, 128>}, {transform_indices = @transform_5, window_bounds = array<i64: 1024, 2048>}, {pipeline_mode = #tpu.pipeline_mode<synchronous>, transform_indices = @transform_6, window_bounds = array<i64: 1024, 128>}, {pipeline_mode = #tpu.pipeline_mode<synchronous>, transform_indices = @transform_7, window_bounds = array<i64: 1024, 128>}]} {
    %eq3A = arith.constant 0 : i32
    %eq3A_0 = arith.cmpi eq, %arg0, %eq3A : i32
    %convert_element_type3A = arith.extui %eq3A_0 : i1 to i32
    %cond3A = arith.constant 0 : i32
    %cond3A_1 = arith.cmpi ne, %convert_element_type3A, %cond3A : i32
    scf.if %cond3A_1 {
      %broadcast_in_dim3A_86 = arith.constant 0.000000e+00 : f32
      %broadcast_in_dim3A_87 = vector.broadcast %broadcast_in_dim3A_86 : f32 to vector<1024x128xf32>
      %swap3A_88 = arith.constant 0 : index
      %swap3A_89 = arith.constant 0 : index
      %swap3A_90 = vector.load %arg9[%swap3A_88, %swap3A_89] : memref<1024x128xf32, #tpu.memory_space<vmem>>, vector<1024x128xf32>
      tpu.vector_store %arg9[%swap3A_88, %swap3A_89], %broadcast_in_dim3A_87 {strides = array<i32>} : memref<1024x128xf32, #tpu.memory_space<vmem>>, vector<1024x128xf32>,
      %broadcast_in_dim3A_91 = arith.constant 0.000000e+00 : f32
      %broadcast_in_dim3A_92 = vector.broadcast %broadcast_in_dim3A_91 : f32 to vector<1024x128xf32>
      %swap3A_93 = arith.constant 0 : index
      %swap3A_94 = arith.constant 0 : index
      %swap3A_95 = vector.load %arg10[%swap3A_93, %swap3A_94] : memref<1024x128xf32, #tpu.memory_space<vmem>>, vector<1024x128xf32>
      tpu.vector_store %arg10[%swap3A_93, %swap3A_94], %broadcast_in_dim3A_92 {strides = array<i32>} : memref<1024x128xf32, #tpu.memory_space<vmem>>, vector<1024x128xf32>,
    } else {
    }
    %get3A = arith.constant 0 : index
    %get3A_2 = arith.constant 0 : index
    %get3A_3 = vector.load %arg1[%get3A, %get3A_2] : memref<1024x128xf32, #tpu.memory_space<vmem>>, vector<1024x128xf32>
    %mul3A = arith.mulf %get3A_3, %get3A_3 : vector<1024x128xf32>
    %reduce_sum3A = arith.constant dense<0.000000e+00> : vector<1024xf32>
    %reduce_sum3A_4 = vector.multi_reduction <add>, %mul3A, %reduce_sum3A [1] : vector<1024x128xf32> to vector<1024xf32>
    %broadcast_in_dim3A = vector.shape_cast %reduce_sum3A_4 : vector<1024xf32> to vector<1024x1xf32>
    %sqrt3A = math.sqrt %broadcast_in_dim3A : vector<1024x1xf32>
    %max3A = arith.constant 9.99999996E-13 : f32
    %max3A_5 = vector.broadcast %max3A : f32 to vector<1024x1xf32>
    %max3A_6 = arith.maximumf %sqrt3A, %max3A_5 : vector<1024x1xf32>
    %div3A = vector.broadcast %max3A_6 : vector<1024x1xf32> to vector<1024x128xf32>
    %div3A_7 = arith.divf %get3A_3, %div3A : vector<1024x128xf32>
    %get3A_8 = arith.constant 0 : index
    %get3A_9 = arith.constant 0 : index
    %get3A_10 = vector.load %arg2[%get3A_8, %get3A_9] : memref<2048x128xf32, #tpu.memory_space<vmem>>, vector<2048x128xf32>
    %mul3A_11 = arith.constant 2048 : i32
    %mul3A_12 = arith.muli %arg0, %mul3A_11 : i32
    %sub3A = arith.constant 100000 : i32
    %sub3A_13 = arith.subi %sub3A, %mul3A_12 : i32
    %iota3A = tpu.iota {dimensions = array<i32: 0>} : vector<2048x1xi32>
    %lt3A = vector.broadcast %sub3A_13 : i32 to vector<2048x1xi32>
    %lt3A_14 = arith.cmpi slt, %iota3A, %lt3A : vector<2048x1xi32>
    %jit3A = arith.constant 0.000000e+00 : f32
    %broadcast_in_dim3A_15 = vector.shape_cast %lt3A_14 : vector<2048x1xi1> to vector<2048x1xi1>
    %broadcast_in_dim3A_16 = vector.broadcast %broadcast_in_dim3A_15 : vector<2048x1xi1> to vector<2048x128xi1>
    %broadcast_in_dim3A_17 = vector.broadcast %jit3A : f32 to vector<2048x128xf32>
    %select_n3A = arith.select %broadcast_in_dim3A_16, %get3A_10, %broadcast_in_dim3A_17 : vector<2048x128xi1>, vector<2048x128xf32>
    %mul3A_18 = arith.mulf %select_n3A, %select_n3A : vector<2048x128xf32>
    %reduce_sum3A_19 = arith.constant dense<0.000000e+00> : vector<2048xf32>
    %reduce_sum3A_20 = vector.multi_reduction <add>, %mul3A_18, %reduce_sum3A_19 [1] : vector<2048x128xf32> to vector<2048xf32>
    %broadcast_in_dim3A_21 = vector.shape_cast %reduce_sum3A_20 : vector<2048xf32> to vector<2048x1xf32>
    %sqrt3A_22 = math.sqrt %broadcast_in_dim3A_21 : vector<2048x1xf32>
    %max3A_23 = arith.constant 9.99999996E-13 : f32
    %max3A_24 = vector.broadcast %max3A_23 : f32 to vector<2048x1xf32>
    %max3A_25 = arith.maximumf %sqrt3A_22, %max3A_24 : vector<2048x1xf32>
    %div3A_26 = vector.broadcast %max3A_25 : vector<2048x1xf32> to vector<2048x128xf32>
    %div3A_27 = arith.divf %select_n3A, %div3A_26 : vector<2048x128xf32>
    %dot_general3A = arith.constant dense<0.000000e+00> : vector<1024x2048xf32>
    %dot_general3A_28 = tpu.matmul %div3A_7, %div3A_27, %dot_general3A {dimension_numbers = #tpu.dot_dimension_numbers<[1], [1], [0], [0], [0, 0, 1, 0], [], []>, transpose_lhs_hint = false} : vector<1024x128xf32>, vector<2048x128xf32>, vector<1024x2048xf32> -> vector<1024x2048xf32>
    %iota3A_29 = tpu.iota {dimensions = array<i32: 1>} : vector<1024x2048xi32>
    %mul3A_30 = arith.constant 2048 : i32
    %mul3A_31 = arith.muli %arg0, %mul3A_30 : i32
    %add3A = vector.broadcast %mul3A_31 : i32 to vector<1024x2048xi32>
    %add3A_32 = arith.addi %iota3A_29, %add3A : vector<1024x2048xi32>
    %lt3A_33 = arith.constant 100000 : i32
    %lt3A_34 = vector.broadcast %lt3A_33 : i32 to vector<1024x2048xi32>
    %lt3A_35 = arith.cmpi slt, %add3A_32, %lt3A_34 : vector<1024x2048xi32>
    %jit3A_36 = arith.constant -1.000000e+30 : f32
    %broadcast_in_dim3A_37 = vector.broadcast %jit3A_36 : f32 to vector<1024x2048xf32>
    %select_n3A_38 = arith.select %lt3A_35, %dot_general3A_28, %broadcast_in_dim3A_37 : vector<1024x2048xi1>, vector<1024x2048xf32>
    %get3A_39 = arith.constant 0 : index
    %get3A_40 = arith.constant 0 : index
    %get3A_41 = vector.load %arg3[%get3A_39, %get3A_40] : memref<1024x128xf32, #tpu.memory_space<vmem>>, vector<1024x128xf32>
    %slice3A = vector.extract_strided_slice %get3A_41 {offsets = [0, 0], sizes = [1024, 1], strides = [1, 1]} : vector<1024x128xf32> to vector<1024x1xf32>
    %get3A_42 = arith.constant 0 : index
    %get3A_43 = arith.constant 0 : index
    %get3A_44 = vector.load %arg4[%get3A_42, %get3A_43] : memref<1024x128xf32, #tpu.memory_space<vmem>>, vector<1024x128xf32>
    %slice3A_45 = vector.extract_strided_slice %get3A_44 {offsets = [0, 0], sizes = [1024, 1], strides = [1, 1]} : vector<1024x128xf32> to vector<1024x1xf32>
    %max3A_46 = arith.constant 1.000000e-30 : f32
    %max3A_47 = vector.broadcast %max3A_46 : f32 to vector<1024x1xf32>
    %max3A_48 = arith.maximumf %slice3A_45, %max3A_47 : vector<1024x1xf32>
    %div3A_49 = arith.constant 1.000000e+00 : f32
    %div3A_50 = vector.broadcast %div3A_49 : f32 to vector<1024x1xf32>
    %div3A_51 = arith.divf %div3A_50, %max3A_48 : vector<1024x1xf32>
    %sub3A_52 = vector.broadcast %slice3A : vector<1024x1xf32> to vector<1024x2048xf32>
    %sub3A_53 = arith.subf %select_n3A_38, %sub3A_52 : vector<1024x2048xf32>
    %exp3A = math.exp %sub3A_53 : vector<1024x2048xf32>
    %mul3A_54 = vector.broadcast %div3A_51 : vector<1024x1xf32> to vector<1024x2048xf32>
    %mul3A_55 = arith.mulf %exp3A, %mul3A_54 : vector<1024x2048xf32>
    %swap3A = arith.constant 0 : index
    %swap3A_56 = arith.constant 0 : index
    %swap3A_57 = vector.load %arg6[%swap3A, %swap3A_56] : memref<1024x2048xf32, #tpu.memory_space<vmem>>, vector<1024x2048xf32>
    tpu.vector_store %arg6[%swap3A, %swap3A_56], %mul3A_55 {strides = array<i32>} : memref<1024x2048xf32, #tpu.memory_space<vmem>>, vector<1024x2048xf32>,
    %get3A_58 = arith.constant 0 : index
    %get3A_59 = arith.constant 0 : index
    %get3A_60 = vector.load %arg9[%get3A_58, %get3A_59] : memref<1024x128xf32, #tpu.memory_space<vmem>>, vector<1024x128xf32>
    %slice3A_61 = vector.extract_strided_slice %get3A_60 {offsets = [0, 0], sizes = [1024, 1], strides = [1, 1]} : vector<1024x128xf32> to vector<1024x1xf32>
    %mul3A_62 = arith.mulf %exp3A, %select_n3A_38 : vector<1024x2048xf32>
    %reduce_sum3A_63 = arith.constant dense<0.000000e+00> : vector<1024xf32>
    %reduce_sum3A_64 = vector.multi_reduction <add>, %mul3A_62, %reduce_sum3A_63 [1] : vector<1024x2048xf32> to vector<1024xf32>
    %broadcast_in_dim3A_65 = vector.shape_cast %reduce_sum3A_64 : vector<1024xf32> to vector<1024x1xf32>
    %add3A_66 = arith.addf %slice3A_61, %broadcast_in_dim3A_65 : vector<1024x1xf32>
    %get3A_67 = arith.constant 0 : index
    %get3A_68 = arith.constant 0 : index
    %get3A_69 = vector.load %arg10[%get3A_67, %get3A_68] : memref<1024x128xf32, #tpu.memory_space<vmem>>, vector<1024x128xf32>
    %dot_general3A_70 = arith.constant dense<0.000000e+00> : vector<1024x128xf32>
    %dot_general3A_71 = tpu.matmul %exp3A, %div3A_27, %dot_general3A_70 {dimension_numbers = #tpu.dot_dimension_numbers<[1], [0], [0], [1], [0, 0, 1, 1], [], []>, transpose_lhs_hint = false} : vector<1024x2048xf32>, vector<2048x128xf32>, vector<1024x128xf32> -> vector<1024x128xf32>
    %add3A_72 = arith.addf %get3A_69, %dot_general3A_71 : vector<1024x128xf32>
    %broadcast_in_dim3A_73 = vector.shape_cast %add3A_66 : vector<1024x1xf32> to vector<1024x1xf32>
    %broadcast_in_dim3A_74 = vector.broadcast %broadcast_in_dim3A_73 : vector<1024x1xf32> to vector<1024x128xf32>
    %swap3A_75 = arith.constant 0 : index
    %swap3A_76 = arith.constant 0 : index
    %swap3A_77 = vector.load %arg9[%swap3A_75, %swap3A_76] : memref<1024x128xf32, #tpu.memory_space<vmem>>, vector<1024x128xf32>
    tpu.vector_store %arg9[%swap3A_75, %swap3A_76], %broadcast_in_dim3A_74 {strides = array<i32>} : memref<1024x128xf32, #tpu.memory_space<vmem>>, vector<1024x128xf32>,
    %swap3A_78 = arith.constant 0 : index
    %swap3A_79 = arith.constant 0 : index
    %swap3A_80 = vector.load %arg10[%swap3A_78, %swap3A_79] : memref<1024x128xf32, #tpu.memory_space<vmem>>, vector<1024x128xf32>
    tpu.vector_store %arg10[%swap3A_78, %swap3A_79], %add3A_72 {strides = array<i32>} : memref<1024x128xf32, #tpu.memory_space<vmem>>, vector<1024x128xf32>,
    %eq3A_81 = arith.constant 48 : i32
    %eq3A_82 = arith.cmpi eq, %arg0, %eq3A_81 : i32
    %convert_element_type3A_83 = arith.extui %eq3A_82 : i1 to i32
    %cond3A_84 = arith.constant 0 : i32
    %cond3A_85 = arith.cmpi ne, %convert_element_type3A_83, %cond3A_84 : i32
    scf.if %cond3A_85 {
      %mul3A_86 = vector.broadcast %div3A_51 : vector<1024x1xf32> to vector<1024x128xf32>
      %mul3A_87 = arith.mulf %add3A_72, %mul3A_86 : vector<1024x128xf32>
      %swap3A_88 = arith.constant 0 : index
      %swap3A_89 = arith.constant 0 : index
      %swap3A_90 = vector.load %arg7[%swap3A_88, %swap3A_89] : memref<1024x128xf32, #tpu.memory_space<vmem>>, vector<1024x128xf32>
      tpu.vector_store %arg7[%swap3A_88, %swap3A_89], %mul3A_87 {strides = array<i32>} : memref<1024x128xf32, #tpu.memory_space<vmem>>, vector<1024x128xf32>,
      %log3A = math.log %max3A_48 : vector<1024x1xf32>
      %add3A_91 = arith.addf %slice3A, %log3A : vector<1024x1xf32>
      %mul3A_92 = arith.mulf %add3A_66, %div3A_51 : vector<1024x1xf32>
      %sub3A_93 = arith.subf %add3A_91, %mul3A_92 : vector<1024x1xf32>
      %div3A_94 = arith.constant 11.5129251 : f32
      %div3A_95 = vector.broadcast %div3A_94 : f32 to vector<1024x1xf32>
      %div3A_96 = arith.divf %sub3A_93, %div3A_95 : vector<1024x1xf32>
      %jit3A_97 = arith.constant 0.000000e+00 : f32
      %jit3A_98 = arith.constant 1.000000e+00 : f32
      %max3A_99 = vector.broadcast %jit3A_97 : f32 to vector<1024x1xf32>
      %max3A_100 = arith.maximumf %max3A_99, %div3A_96 : vector<1024x1xf32>
      %min3A = vector.broadcast %jit3A_98 : f32 to vector<1024x1xf32>
      %min3A_101 = arith.minimumf %min3A, %max3A_100 : vector<1024x1xf32>
      %get3A_102 = arith.constant 0 : index
      %get3A_103 = arith.constant 0 : index
      %get3A_104 = vector.load %arg5[%get3A_102, %get3A_103] : memref<1024x128xf32, #tpu.memory_space<vmem>>, vector<1024x128xf32>
      %slice3A_105 = vector.extract_strided_slice %get3A_104 {offsets = [0, 0], sizes = [1024, 1], strides = [1, 1]} : vector<1024x128xf32> to vector<1024x1xf32>
      %sub3A_106 = arith.subf %slice3A_105, %slice3A : vector<1024x1xf32>
      %exp3A_107 = math.exp %sub3A_106 : vector<1024x1xf32>
      %sub3A_108 = arith.constant 1.000000e+00 : f32
      %sub3A_109 = vector.broadcast %sub3A_108 : f32 to vector<1024x1xf32>
      %sub3A_110 = arith.subf %sub3A_109, %exp3A_107 : vector<1024x1xf32>
      %mul3A_111 = arith.mulf %sub3A_110, %div3A_51 : vector<1024x1xf32>
      %mul3A_112 = arith.constant 5.000000e-01 : f32
      %mul3A_113 = vector.broadcast %mul3A_112 : f32 to vector<1024x1xf32>
      %mul3A_114 = arith.mulf %mul3A_113, %div3A_51 : vector<1024x1xf32>
      %sub3A_115 = arith.constant 1.000000e+00 : f32
      %sub3A_116 = vector.broadcast %sub3A_115 : f32 to vector<1024x1xf32>
      %sub3A_117 = arith.subf %sub3A_116, %min3A_101 : vector<1024x1xf32>
      %mul3A_118 = arith.constant 3.000000e-01 : f32
      %mul3A_119 = vector.broadcast %mul3A_118 : f32 to vector<1024x1xf32>
      %mul3A_120 = arith.mulf %mul3A_119, %sub3A_117 : vector<1024x1xf32>
      %add3A_121 = arith.addf %mul3A_114, %mul3A_120 : vector<1024x1xf32>
      %mul3A_122 = arith.constant 2.000000e-01 : f32
      %mul3A_123 = vector.broadcast %mul3A_122 : f32 to vector<1024x1xf32>
      %mul3A_124 = arith.mulf %mul3A_123, %mul3A_111 : vector<1024x1xf32>
      %add3A_125 = arith.addf %add3A_121, %mul3A_124 : vector<1024x1xf32>
      %jit3A_126 = arith.constant 0.000000e+00 : f32
      %jit3A_127 = arith.constant 1.000000e+00 : f32
      %max3A_128 = vector.broadcast %jit3A_126 : f32 to vector<1024x1xf32>
      %max3A_129 = arith.maximumf %max3A_128, %add3A_125 : vector<1024x1xf32>
      %min3A_130 = vector.broadcast %jit3A_127 : f32 to vector<1024x1xf32>
      %min3A_131 = arith.minimumf %min3A_130, %max3A_129 : vector<1024x1xf32>
      %broadcast_in_dim3A_132 = vector.shape_cast %min3A_131 : vector<1024x1xf32> to vector<1024x1xf32>
      %broadcast_in_dim3A_133 = vector.broadcast %broadcast_in_dim3A_132 : vector<1024x1xf32> to vector<1024x128xf32>
      %swap3A_134 = arith.constant 0 : index
      %swap3A_135 = arith.constant 0 : index
      %swap3A_136 = vector.load %arg8[%swap3A_134, %swap3A_135] : memref<1024x128xf32, #tpu.memory_space<vmem>>, vector<1024x128xf32>
      tpu.vector_store %arg8[%swap3A_134, %swap3A_135], %broadcast_in_dim3A_133 {strides = array<i32>} : memref<1024x128xf32, #tpu.memory_space<vmem>>, vector<1024x128xf32>,
    } else {
    }
    return
  }
  func.func @transform_0(%arg0: i32) -> (i32, i32) {
    %c0_i32 = arith.constant 0 : i32
    %c0_i32_0 = arith.constant 0 : i32
    %c0_i32_1 = arith.constant 0 : i32
    return %c0_i32, %c0_i32_0 : i32, i32
  }
  func.func @transform_1(%arg0: i32) -> (i32, i32) {
    %c0_i32 = arith.constant 0 : i32
    %c0_i32_0 = arith.constant 0 : i32
    return %arg0, %c0_i32 : i32, i32
  }
  func.func @transform_2(%arg0: i32) -> (i32, i32) {
    %c0_i32 = arith.constant 0 : i32
    %c0_i32_0 = arith.constant 0 : i32
    %c0_i32_1 = arith.constant 0 : i32
    return %c0_i32, %c0_i32_0 : i32, i32
  }
  func.func @transform_3(%arg0: i32) -> (i32, i32) {
    %c0_i32 = arith.constant 0 : i32
    %c0_i32_0 = arith.constant 0 : i32
    %c0_i32_1 = arith.constant 0 : i32
    return %c0_i32, %c0_i32_0 : i32, i32
  }
  func.func @transform_4(%arg0: i32) -> (i32, i32) {
    %c0_i32 = arith.constant 0 : i32
    %c0_i32_0 = arith.constant 0 : i32
    %c0_i32_1 = arith.constant 0 : i32
    return %c0_i32, %c0_i32_0 : i32, i32
  }
  func.func @transform_5(%arg0: i32) -> (i32, i32) {
    %c0_i32 = arith.constant 0 : i32
    %c0_i32_0 = arith.constant 0 : i32
    return %c0_i32, %arg0 : i32, i32
  }
  func.func @transform_6(%arg0: i32) -> (i32, i32) {
    %c0_i32 = arith.constant 0 : i32
    %c0_i32_0 = arith.constant 0 : i32
    %c0_i32_1 = arith.constant 0 : i32
    return %c0_i32, %c0_i32_0 : i32, i32
  }
  func.func @transform_7(%arg0: i32) -> (i32, i32) {
    %c0_i32 = arith.constant 0 : i32
    %c0_i32_0 = arith.constant 0 : i32
    %c0_i32_1 = arith.constant 0 : i32
    return %c0_i32, %c0_i32_0 : i32, i32
  }
}

module attributes {stable_mosaic.version = 14 : i64} {
  func.func @_pass3_body(%arg0: i32, %arg1: memref<128x5120xf32, #tpu.memory_space<vmem>>, %arg2: memref<128x128xi32, #tpu.memory_space<vmem>>, %arg3: memref<128x128xf32, #tpu.memory_space<vmem>>, %arg4: memref<128x128xi32, #tpu.memory_space<vmem>>) attributes {dimension_semantics = [#tpu.dimension_semantics<arbitrary>], iteration_bounds = array<i64: 8>, scalar_prefetch = 0 : i64, scratch_operands = 0 : i64, tpu.core_type = #tpu.core_type<tc>, window_params = [{transform_indices = @transform_0, window_bounds = array<i64: 128, 5120>}, {transform_indices = @transform_1, window_bounds = array<i64: 128, 128>}, {transform_indices = @transform_2, window_bounds = array<i64: 128, 128>}, {transform_indices = @transform_3, window_bounds = array<i64: 128, 128>}]} {
    %iota3A = tpu.iota {dimensions = array<i32: 1>} : vector<128x5120xi32>
    %jit3A = arith.constant 1024 : i32
    %div3A = vector.broadcast %jit3A : i32 to vector<128x5120xi32>
    %div3A_0 = arith.divsi %iota3A, %div3A : vector<128x5120xi32>
    %sign3A = arith.constant 0 : i32
    %sign3A_1 = vector.broadcast %sign3A : i32 to vector<128x5120xi32>
    %sign3A_2 = arith.cmpi sgt, %iota3A, %sign3A_1 : vector<128x5120xi32>
    %sign3A_3 = arith.extui %sign3A_2 : vector<128x5120xi1> to vector<128x5120xi32>
    %sign3A_4 = arith.constant 0 : i32
    %sign3A_5 = vector.broadcast %sign3A_4 : i32 to vector<128x5120xi32>
    %sign3A_6 = arith.cmpi slt, %iota3A, %sign3A_5 : vector<128x5120xi32>
    %sign3A_7 = arith.extui %sign3A_6 : vector<128x5120xi1> to vector<128x5120xi32>
    %sign3A_8 = arith.subi %sign3A_3, %sign3A_7 : vector<128x5120xi32>
    %sign3A_9 = arith.constant 0 : i32
    %sign3A_10 = arith.cmpi sgt, %jit3A, %sign3A_9 : i32
    %sign3A_11 = arith.extui %sign3A_10 : i1 to i32
    %sign3A_12 = arith.constant 0 : i32
    %sign3A_13 = arith.cmpi slt, %jit3A, %sign3A_12 : i32
    %sign3A_14 = arith.extui %sign3A_13 : i1 to i32
    %sign3A_15 = arith.subi %sign3A_11, %sign3A_14 : i32
    %ne3A = vector.broadcast %sign3A_15 : i32 to vector<128x5120xi32>
    %ne3A_16 = arith.cmpi ne, %sign3A_8, %ne3A : vector<128x5120xi32>
    %rem3A = vector.broadcast %jit3A : i32 to vector<128x5120xi32>
    %rem3A_17 = arith.remsi %iota3A, %rem3A : vector<128x5120xi32>
    %ne3A_18 = arith.constant 0 : i32
    %ne3A_19 = vector.broadcast %ne3A_18 : i32 to vector<128x5120xi32>
    %ne3A_20 = arith.cmpi ne, %rem3A_17, %ne3A_19 : vector<128x5120xi32>
    %and3A = arith.andi %ne3A_16, %ne3A_20 : vector<128x5120xi1>
    %sub3A = arith.constant 1 : i32
    %sub3A_21 = vector.broadcast %sub3A : i32 to vector<128x5120xi32>
    %sub3A_22 = arith.subi %div3A_0, %sub3A_21 : vector<128x5120xi32>
    %select_n3A = arith.select %and3A, %sub3A_22, %div3A_0 : vector<128x5120xi1>, vector<128x5120xi32>
    %mul3A = arith.constant 1024 : i32
    %mul3A_23 = vector.broadcast %mul3A : i32 to vector<128x5120xi32>
    %mul3A_24 = arith.muli %select_n3A, %mul3A_23 : vector<128x5120xi32>
    %sub3A_25 = arith.subi %iota3A, %mul3A_24 : vector<128x5120xi32>
    %broadcast_in_dim3A = arith.constant 0 : i32
    %broadcast_in_dim3A_26 = vector.broadcast %broadcast_in_dim3A : i32 to vector<128x5120xi32>
    %eq3A = arith.constant 0 : i32
    %eq3A_27 = vector.broadcast %eq3A : i32 to vector<128x5120xi32>
    %eq3A_28 = arith.cmpi eq, %select_n3A, %eq3A_27 : vector<128x5120xi32>
    %get3A = arith.constant 0 : index
    %get3A_29 = arith.constant 0 : index
    %get3A_30 = vector.load %arg2[%get3A, %get3A_29] : memref<128x128xi32, #tpu.memory_space<vmem>>, vector<128x128xi32>
    %slice3A = vector.extract_strided_slice %get3A_30 {offsets = [0, 0], sizes = [128, 1], strides = [1, 1]} : vector<128x128xi32> to vector<128x1xi32>
    %broadcast_in_dim3A_31 = vector.shape_cast %slice3A : vector<128x1xi32> to vector<128x1xi32>
    %broadcast_in_dim3A_32 = vector.broadcast %broadcast_in_dim3A_31 : vector<128x1xi32> to vector<128x5120xi32>
    %select_n3A_33 = arith.select %eq3A_28, %broadcast_in_dim3A_32, %broadcast_in_dim3A_26 : vector<128x5120xi1>, vector<128x5120xi32>
    %eq3A_34 = arith.constant 1 : i32
    %eq3A_35 = vector.broadcast %eq3A_34 : i32 to vector<128x5120xi32>
    %eq3A_36 = arith.cmpi eq, %select_n3A, %eq3A_35 : vector<128x5120xi32>
    %get3A_37 = arith.constant 0 : index
    %get3A_38 = arith.constant 0 : index
    %get3A_39 = vector.load %arg2[%get3A_37, %get3A_38] : memref<128x128xi32, #tpu.memory_space<vmem>>, vector<128x128xi32>
    %slice3A_40 = vector.extract_strided_slice %get3A_39 {offsets = [0, 1], sizes = [128, 1], strides = [1, 1]} : vector<128x128xi32> to vector<128x1xi32>
    %broadcast_in_dim3A_41 = vector.shape_cast %slice3A_40 : vector<128x1xi32> to vector<128x1xi32>
    %broadcast_in_dim3A_42 = vector.broadcast %broadcast_in_dim3A_41 : vector<128x1xi32> to vector<128x5120xi32>
    %select_n3A_43 = arith.select %eq3A_36, %broadcast_in_dim3A_42, %select_n3A_33 : vector<128x5120xi1>, vector<128x5120xi32>
    %eq3A_44 = arith.constant 2 : i32
    %eq3A_45 = vector.broadcast %eq3A_44 : i32 to vector<128x5120xi32>
    %eq3A_46 = arith.cmpi eq, %select_n3A, %eq3A_45 : vector<128x5120xi32>
    %get3A_47 = arith.constant 0 : index
    %get3A_48 = arith.constant 0 : index
    %get3A_49 = vector.load %arg2[%get3A_47, %get3A_48] : memref<128x128xi32, #tpu.memory_space<vmem>>, vector<128x128xi32>
    %slice3A_50 = vector.extract_strided_slice %get3A_49 {offsets = [0, 2], sizes = [128, 1], strides = [1, 1]} : vector<128x128xi32> to vector<128x1xi32>
    %broadcast_in_dim3A_51 = vector.shape_cast %slice3A_50 : vector<128x1xi32> to vector<128x1xi32>
    %broadcast_in_dim3A_52 = vector.broadcast %broadcast_in_dim3A_51 : vector<128x1xi32> to vector<128x5120xi32>
    %select_n3A_53 = arith.select %eq3A_46, %broadcast_in_dim3A_52, %select_n3A_43 : vector<128x5120xi1>, vector<128x5120xi32>
    %eq3A_54 = arith.constant 3 : i32
    %eq3A_55 = vector.broadcast %eq3A_54 : i32 to vector<128x5120xi32>
    %eq3A_56 = arith.cmpi eq, %select_n3A, %eq3A_55 : vector<128x5120xi32>
    %get3A_57 = arith.constant 0 : index
    %get3A_58 = arith.constant 0 : index
    %get3A_59 = vector.load %arg2[%get3A_57, %get3A_58] : memref<128x128xi32, #tpu.memory_space<vmem>>, vector<128x128xi32>
    %slice3A_60 = vector.extract_strided_slice %get3A_59 {offsets = [0, 3], sizes = [128, 1], strides = [1, 1]} : vector<128x128xi32> to vector<128x1xi32>
    %broadcast_in_dim3A_61 = vector.shape_cast %slice3A_60 : vector<128x1xi32> to vector<128x1xi32>
    %broadcast_in_dim3A_62 = vector.broadcast %broadcast_in_dim3A_61 : vector<128x1xi32> to vector<128x5120xi32>
    %select_n3A_63 = arith.select %eq3A_56, %broadcast_in_dim3A_62, %select_n3A_53 : vector<128x5120xi1>, vector<128x5120xi32>
    %eq3A_64 = arith.constant 4 : i32
    %eq3A_65 = vector.broadcast %eq3A_64 : i32 to vector<128x5120xi32>
    %eq3A_66 = arith.cmpi eq, %select_n3A, %eq3A_65 : vector<128x5120xi32>
    %get3A_67 = arith.constant 0 : index
    %get3A_68 = arith.constant 0 : index
    %get3A_69 = vector.load %arg2[%get3A_67, %get3A_68] : memref<128x128xi32, #tpu.memory_space<vmem>>, vector<128x128xi32>
    %slice3A_70 = vector.extract_strided_slice %get3A_69 {offsets = [0, 4], sizes = [128, 1], strides = [1, 1]} : vector<128x128xi32> to vector<128x1xi32>
    %broadcast_in_dim3A_71 = vector.shape_cast %slice3A_70 : vector<128x1xi32> to vector<128x1xi32>
    %broadcast_in_dim3A_72 = vector.broadcast %broadcast_in_dim3A_71 : vector<128x1xi32> to vector<128x5120xi32>
    %select_n3A_73 = arith.select %eq3A_66, %broadcast_in_dim3A_72, %select_n3A_63 : vector<128x5120xi1>, vector<128x5120xi32>
    %jit3A_74 = arith.constant 0 : i32
    %jit3A_75 = arith.constant 97 : i32
    %max3A = vector.broadcast %jit3A_74 : i32 to vector<128x5120xi32>
    %max3A_76 = arith.maxsi %max3A, %select_n3A_73 : vector<128x5120xi32>
    %min3A = vector.broadcast %jit3A_75 : i32 to vector<128x5120xi32>
    %min3A_77 = arith.minsi %min3A, %max3A_76 : vector<128x5120xi32>
    %mul3A_78 = arith.constant 1024 : i32
    %mul3A_79 = vector.broadcast %mul3A_78 : i32 to vector<128x5120xi32>
    %mul3A_80 = arith.muli %min3A_77, %mul3A_79 : vector<128x5120xi32>
    %min3A_81 = arith.constant 98944 : i32
    %min3A_82 = vector.broadcast %min3A_81 : i32 to vector<128x5120xi32>
    %min3A_83 = arith.minsi %mul3A_80, %min3A_82 : vector<128x5120xi32>
    %add3A = arith.addi %min3A_83, %sub3A_25 : vector<128x5120xi32>
    %get3A_84 = arith.constant 0 : index
    %get3A_85 = arith.constant 0 : index
    %get3A_86 = vector.load %arg1[%get3A_84, %get3A_85] : memref<128x5120xf32, #tpu.memory_space<vmem>>, vector<128x5120xf32>
    %iota3A_87 = tpu.iota {dimensions = array<i32: 1>} : vector<128x128xi32>
    %add3A_88 = arith.constant 99968 : i32
    %add3A_89 = vector.broadcast %add3A_88 : i32 to vector<128x128xi32>
    %add3A_90 = arith.addi %add3A_89, %iota3A_87 : vector<128x128xi32>
    %lt3A = arith.constant 100000 : i32
    %lt3A_91 = vector.broadcast %lt3A : i32 to vector<128x128xi32>
    %lt3A_92 = arith.cmpi slt, %add3A_90, %lt3A_91 : vector<128x128xi32>
    %get3A_93 = arith.constant 0 : index
    %get3A_94 = arith.constant 0 : index
    %get3A_95 = vector.load %arg3[%get3A_93, %get3A_94] : memref<128x128xf32, #tpu.memory_space<vmem>>, vector<128x128xf32>
    %jit3A_96 = arith.constant -1.000000e+30 : f32
    %broadcast_in_dim3A_97 = vector.broadcast %jit3A_96 : f32 to vector<128x128xf32>
    %select_n3A_98 = arith.select %lt3A_92, %get3A_95, %broadcast_in_dim3A_97 : vector<128x128xi1>, vector<128x128xf32>
    %concatenate3A = tpu.concatenate %get3A_86, %select_n3A_98 in 1 : vector<128x5120xf32>, vector<128x128xf32> -> vector<128x5248xf32>
    %concatenate3A_99 = tpu.concatenate %add3A, %add3A_90 in 1 : vector<128x5120xi32>, vector<128x128xi32> -> vector<128x5248xi32>
    %broadcast_in_dim3A_100 = arith.constant 0 : i32
    %broadcast_in_dim3A_101 = vector.broadcast %broadcast_in_dim3A_100 : i32 to vector<128x128xi32>
    %reduce_max3A = arith.constant dense<0xFF800000> : vector<128xf32>
    %reduce_max3A_102 = vector.multi_reduction <maximumf>, %concatenate3A, %reduce_max3A [1] : vector<128x5248xf32> to vector<128xf32>
    %broadcast_in_dim3A_103 = vector.shape_cast %reduce_max3A_102 : vector<128xf32> to vector<128x1xf32>
    %ge3A = vector.broadcast %broadcast_in_dim3A_103 : vector<128x1xf32> to vector<128x5248xf32>
    %ge3A_104 = arith.cmpf oge, %concatenate3A, %ge3A : vector<128x5248xf32>
    %jit3A_105 = arith.constant 2147483647 : i32
    %broadcast_in_dim3A_106 = vector.broadcast %jit3A_105 : i32 to vector<128x5248xi32>
    %select_n3A_107 = arith.select %ge3A_104, %concatenate3A_99, %broadcast_in_dim3A_106 : vector<128x5248xi1>, vector<128x5248xi32>
    %reduce_min3A = arith.constant dense<2147483647> : vector<128xi32>
    %reduce_min3A_108 = vector.multi_reduction <minsi>, %select_n3A_107, %reduce_min3A [1] : vector<128x5248xi32> to vector<128xi32>
    %broadcast_in_dim3A_109 = vector.shape_cast %reduce_min3A_108 : vector<128xi32> to vector<128x1xi32>
    %eq3A_110 = arith.constant 0 : i32
    %eq3A_111 = vector.broadcast %eq3A_110 : i32 to vector<128x128xi32>
    %eq3A_112 = arith.cmpi eq, %iota3A_87, %eq3A_111 : vector<128x128xi32>
    %broadcast_in_dim3A_113 = vector.shape_cast %broadcast_in_dim3A_109 : vector<128x1xi32> to vector<128x1xi32>
    %broadcast_in_dim3A_114 = vector.broadcast %broadcast_in_dim3A_113 : vector<128x1xi32> to vector<128x128xi32>
    %select_n3A_115 = arith.select %eq3A_112, %broadcast_in_dim3A_114, %broadcast_in_dim3A_101 : vector<128x128xi1>, vector<128x128xi32>
    %eq3A_116 = vector.broadcast %broadcast_in_dim3A_109 : vector<128x1xi32> to vector<128x5248xi32>
    %eq3A_117 = arith.cmpi eq, %concatenate3A_99, %eq3A_116 : vector<128x5248xi32>
    %jit3A_118 = arith.constant -1.000000e+30 : f32
    %broadcast_in_dim3A_119 = vector.broadcast %jit3A_118 : f32 to vector<128x5248xf32>
    %select_n3A_120 = arith.select %eq3A_117, %broadcast_in_dim3A_119, %concatenate3A : vector<128x5248xi1>, vector<128x5248xf32>
    %reduce_max3A_121 = arith.constant dense<0xFF800000> : vector<128xf32>
    %reduce_max3A_122 = vector.multi_reduction <maximumf>, %select_n3A_120, %reduce_max3A_121 [1] : vector<128x5248xf32> to vector<128xf32>
    %broadcast_in_dim3A_123 = vector.shape_cast %reduce_max3A_122 : vector<128xf32> to vector<128x1xf32>
    %ge3A_124 = vector.broadcast %broadcast_in_dim3A_123 : vector<128x1xf32> to vector<128x5248xf32>
    %ge3A_125 = arith.cmpf oge, %select_n3A_120, %ge3A_124 : vector<128x5248xf32>
    %jit3A_126 = arith.constant 2147483647 : i32
    %broadcast_in_dim3A_127 = vector.broadcast %jit3A_126 : i32 to vector<128x5248xi32>
    %select_n3A_128 = arith.select %ge3A_125, %concatenate3A_99, %broadcast_in_dim3A_127 : vector<128x5248xi1>, vector<128x5248xi32>
    %reduce_min3A_129 = arith.constant dense<2147483647> : vector<128xi32>
    %reduce_min3A_130 = vector.multi_reduction <minsi>, %select_n3A_128, %reduce_min3A_129 [1] : vector<128x5248xi32> to vector<128xi32>
    %broadcast_in_dim3A_131 = vector.shape_cast %reduce_min3A_130 : vector<128xi32> to vector<128x1xi32>
    %eq3A_132 = arith.constant 1 : i32
    %eq3A_133 = vector.broadcast %eq3A_132 : i32 to vector<128x128xi32>
    %eq3A_134 = arith.cmpi eq, %iota3A_87, %eq3A_133 : vector<128x128xi32>
    %broadcast_in_dim3A_135 = vector.shape_cast %broadcast_in_dim3A_131 : vector<128x1xi32> to vector<128x1xi32>
    %broadcast_in_dim3A_136 = vector.broadcast %broadcast_in_dim3A_135 : vector<128x1xi32> to vector<128x128xi32>
    %select_n3A_137 = arith.select %eq3A_134, %broadcast_in_dim3A_136, %select_n3A_115 : vector<128x128xi1>, vector<128x128xi32>
    %eq3A_138 = vector.broadcast %broadcast_in_dim3A_131 : vector<128x1xi32> to vector<128x5248xi32>
    %eq3A_139 = arith.cmpi eq, %concatenate3A_99, %eq3A_138 : vector<128x5248xi32>
    %jit3A_140 = arith.constant -1.000000e+30 : f32
    %broadcast_in_dim3A_141 = vector.broadcast %jit3A_140 : f32 to vector<128x5248xf32>
    %select_n3A_142 = arith.select %eq3A_139, %broadcast_in_dim3A_141, %select_n3A_120 : vector<128x5248xi1>, vector<128x5248xf32>
    %reduce_max3A_143 = arith.constant dense<0xFF800000> : vector<128xf32>
    %reduce_max3A_144 = vector.multi_reduction <maximumf>, %select_n3A_142, %reduce_max3A_143 [1] : vector<128x5248xf32> to vector<128xf32>
    %broadcast_in_dim3A_145 = vector.shape_cast %reduce_max3A_144 : vector<128xf32> to vector<128x1xf32>
    %ge3A_146 = vector.broadcast %broadcast_in_dim3A_145 : vector<128x1xf32> to vector<128x5248xf32>
    %ge3A_147 = arith.cmpf oge, %select_n3A_142, %ge3A_146 : vector<128x5248xf32>
    %jit3A_148 = arith.constant 2147483647 : i32
    %broadcast_in_dim3A_149 = vector.broadcast %jit3A_148 : i32 to vector<128x5248xi32>
    %select_n3A_150 = arith.select %ge3A_147, %concatenate3A_99, %broadcast_in_dim3A_149 : vector<128x5248xi1>, vector<128x5248xi32>
    %reduce_min3A_151 = arith.constant dense<2147483647> : vector<128xi32>
    %reduce_min3A_152 = vector.multi_reduction <minsi>, %select_n3A_150, %reduce_min3A_151 [1] : vector<128x5248xi32> to vector<128xi32>
    %broadcast_in_dim3A_153 = vector.shape_cast %reduce_min3A_152 : vector<128xi32> to vector<128x1xi32>
    %eq3A_154 = arith.constant 2 : i32
    %eq3A_155 = vector.broadcast %eq3A_154 : i32 to vector<128x128xi32>
    %eq3A_156 = arith.cmpi eq, %iota3A_87, %eq3A_155 : vector<128x128xi32>
    %broadcast_in_dim3A_157 = vector.shape_cast %broadcast_in_dim3A_153 : vector<128x1xi32> to vector<128x1xi32>
    %broadcast_in_dim3A_158 = vector.broadcast %broadcast_in_dim3A_157 : vector<128x1xi32> to vector<128x128xi32>
    %select_n3A_159 = arith.select %eq3A_156, %broadcast_in_dim3A_158, %select_n3A_137 : vector<128x128xi1>, vector<128x128xi32>
    %eq3A_160 = vector.broadcast %broadcast_in_dim3A_153 : vector<128x1xi32> to vector<128x5248xi32>
    %eq3A_161 = arith.cmpi eq, %concatenate3A_99, %eq3A_160 : vector<128x5248xi32>
    %jit3A_162 = arith.constant -1.000000e+30 : f32
    %broadcast_in_dim3A_163 = vector.broadcast %jit3A_162 : f32 to vector<128x5248xf32>
    %select_n3A_164 = arith.select %eq3A_161, %broadcast_in_dim3A_163, %select_n3A_142 : vector<128x5248xi1>, vector<128x5248xf32>
    %reduce_max3A_165 = arith.constant dense<0xFF800000> : vector<128xf32>
    %reduce_max3A_166 = vector.multi_reduction <maximumf>, %select_n3A_164, %reduce_max3A_165 [1] : vector<128x5248xf32> to vector<128xf32>
    %broadcast_in_dim3A_167 = vector.shape_cast %reduce_max3A_166 : vector<128xf32> to vector<128x1xf32>
    %ge3A_168 = vector.broadcast %broadcast_in_dim3A_167 : vector<128x1xf32> to vector<128x5248xf32>
    %ge3A_169 = arith.cmpf oge, %select_n3A_164, %ge3A_168 : vector<128x5248xf32>
    %jit3A_170 = arith.constant 2147483647 : i32
    %broadcast_in_dim3A_171 = vector.broadcast %jit3A_170 : i32 to vector<128x5248xi32>
    %select_n3A_172 = arith.select %ge3A_169, %concatenate3A_99, %broadcast_in_dim3A_171 : vector<128x5248xi1>, vector<128x5248xi32>
    %reduce_min3A_173 = arith.constant dense<2147483647> : vector<128xi32>
    %reduce_min3A_174 = vector.multi_reduction <minsi>, %select_n3A_172, %reduce_min3A_173 [1] : vector<128x5248xi32> to vector<128xi32>
    %broadcast_in_dim3A_175 = vector.shape_cast %reduce_min3A_174 : vector<128xi32> to vector<128x1xi32>
    %eq3A_176 = arith.constant 3 : i32
    %eq3A_177 = vector.broadcast %eq3A_176 : i32 to vector<128x128xi32>
    %eq3A_178 = arith.cmpi eq, %iota3A_87, %eq3A_177 : vector<128x128xi32>
    %broadcast_in_dim3A_179 = vector.shape_cast %broadcast_in_dim3A_175 : vector<128x1xi32> to vector<128x1xi32>
    %broadcast_in_dim3A_180 = vector.broadcast %broadcast_in_dim3A_179 : vector<128x1xi32> to vector<128x128xi32>
    %select_n3A_181 = arith.select %eq3A_178, %broadcast_in_dim3A_180, %select_n3A_159 : vector<128x128xi1>, vector<128x128xi32>
    %eq3A_182 = vector.broadcast %broadcast_in_dim3A_175 : vector<128x1xi32> to vector<128x5248xi32>
    %eq3A_183 = arith.cmpi eq, %concatenate3A_99, %eq3A_182 : vector<128x5248xi32>
    %jit3A_184 = arith.constant -1.000000e+30 : f32
    %broadcast_in_dim3A_185 = vector.broadcast %jit3A_184 : f32 to vector<128x5248xf32>
    %select_n3A_186 = arith.select %eq3A_183, %broadcast_in_dim3A_185, %select_n3A_164 : vector<128x5248xi1>, vector<128x5248xf32>
    %reduce_max3A_187 = arith.constant dense<0xFF800000> : vector<128xf32>
    %reduce_max3A_188 = vector.multi_reduction <maximumf>, %select_n3A_186, %reduce_max3A_187 [1] : vector<128x5248xf32> to vector<128xf32>
    %broadcast_in_dim3A_189 = vector.shape_cast %reduce_max3A_188 : vector<128xf32> to vector<128x1xf32>
    %ge3A_190 = vector.broadcast %broadcast_in_dim3A_189 : vector<128x1xf32> to vector<128x5248xf32>
    %ge3A_191 = arith.cmpf oge, %select_n3A_186, %ge3A_190 : vector<128x5248xf32>
    %jit3A_192 = arith.constant 2147483647 : i32
    %broadcast_in_dim3A_193 = vector.broadcast %jit3A_192 : i32 to vector<128x5248xi32>
    %select_n3A_194 = arith.select %ge3A_191, %concatenate3A_99, %broadcast_in_dim3A_193 : vector<128x5248xi1>, vector<128x5248xi32>
    %reduce_min3A_195 = arith.constant dense<2147483647> : vector<128xi32>
    %reduce_min3A_196 = vector.multi_reduction <minsi>, %select_n3A_194, %reduce_min3A_195 [1] : vector<128x5248xi32> to vector<128xi32>
    %broadcast_in_dim3A_197 = vector.shape_cast %reduce_min3A_196 : vector<128xi32> to vector<128x1xi32>
    %eq3A_198 = arith.constant 4 : i32
    %eq3A_199 = vector.broadcast %eq3A_198 : i32 to vector<128x128xi32>
    %eq3A_200 = arith.cmpi eq, %iota3A_87, %eq3A_199 : vector<128x128xi32>
    %broadcast_in_dim3A_201 = vector.shape_cast %broadcast_in_dim3A_197 : vector<128x1xi32> to vector<128x1xi32>
    %broadcast_in_dim3A_202 = vector.broadcast %broadcast_in_dim3A_201 : vector<128x1xi32> to vector<128x128xi32>
    %select_n3A_203 = arith.select %eq3A_200, %broadcast_in_dim3A_202, %select_n3A_181 : vector<128x128xi1>, vector<128x128xi32>
    %swap3A = arith.constant 0 : index
    %swap3A_204 = arith.constant 0 : index
    %swap3A_205 = vector.load %arg4[%swap3A, %swap3A_204] : memref<128x128xi32, #tpu.memory_space<vmem>>, vector<128x128xi32>
    tpu.vector_store %arg4[%swap3A, %swap3A_204], %select_n3A_203 {strides = array<i32>} : memref<128x128xi32, #tpu.memory_space<vmem>>, vector<128x128xi32>,
    return
  }
  func.func @transform_0(%arg0: i32) -> (i32, i32) {
    %c0_i32 = arith.constant 0 : i32
    %c0_i32_0 = arith.constant 0 : i32
    return %arg0, %c0_i32 : i32, i32
  }
  func.func @transform_1(%arg0: i32) -> (i32, i32) {
    %c0_i32 = arith.constant 0 : i32
    %c0_i32_0 = arith.constant 0 : i32
    return %arg0, %c0_i32 : i32, i32
  }
  func.func @transform_2(%arg0: i32) -> (i32, i32) {
    %c781_i32 = arith.constant 781 : i32
    %c0_i32 = arith.constant 0 : i32
    return %arg0, %c781_i32 : i32, i32
  }
  func.func @transform_3(%arg0: i32) -> (i32, i32) {
    %c0_i32 = arith.constant 0 : i32
    %c0_i32_0 = arith.constant 0 : i32
    return %arg0, %c0_i32 : i32, i32
  }
}

module attributes {stable_mosaic.version = 14 : i64} {
  func.func @_pass1_body(%arg0: i32, %arg1: memref<1024x128xf32, #tpu.memory_space<vmem>>, %arg2: memref<3072x128xf32, #tpu.memory_space<vmem>>, %arg3: memref<1024x128xf32, #tpu.memory_space<vmem>>, %arg4: memref<1024x128xf32, #tpu.memory_space<vmem>>, %arg5: memref<1024x128xf32, #tpu.memory_space<vmem>>, %arg6: memref<1024x128xi32, #tpu.memory_space<vmem>>, %arg7: memref<1024x128xf32, #tpu.memory_space<vmem>>, %arg8: memref<1024x128xf32, #tpu.memory_space<vmem>>, %arg9: memref<1024x128xf32, #tpu.memory_space<vmem>>, %arg10: memref<1024x128xf32, #tpu.memory_space<vmem>>) attributes {dimension_semantics = [#tpu.dimension_semantics<arbitrary>], iteration_bounds = array<i64: 33>, scalar_prefetch = 0 : i64, scratch_operands = 4 : i64, tpu.core_type = #tpu.core_type<tc>, window_params = [{pipeline_mode = #tpu.pipeline_mode<synchronous>, transform_indices = @transform_0, window_bounds = array<i64: 1024, 128>}, {transform_indices = @transform_1, window_bounds = array<i64: 3072, 128>}, {pipeline_mode = #tpu.pipeline_mode<synchronous>, transform_indices = @transform_2, window_bounds = array<i64: 1024, 128>}, {pipeline_mode = #tpu.pipeline_mode<synchronous>, transform_indices = @transform_3, window_bounds = array<i64: 1024, 128>}, {pipeline_mode = #tpu.pipeline_mode<synchronous>, transform_indices = @transform_4, window_bounds = array<i64: 1024, 128>}, {pipeline_mode = #tpu.pipeline_mode<synchronous>, transform_indices = @transform_5, window_bounds = array<i64: 1024, 128>}]} {
    %eq3A = arith.constant 0 : i32
    %eq3A_0 = arith.cmpi eq, %arg0, %eq3A : i32
    %convert_element_type3A = arith.extui %eq3A_0 : i1 to i32
    %cond3A = arith.constant 0 : i32
    %cond3A_1 = arith.cmpi ne, %convert_element_type3A, %cond3A : i32
    scf.if %cond3A_1 {
      %broadcast_in_dim3A_146 = arith.constant -1.000000e+30 : f32
      %broadcast_in_dim3A_147 = vector.broadcast %broadcast_in_dim3A_146 : f32 to vector<1024x128xf32>
      %swap3A_148 = arith.constant 0 : index
      %swap3A_149 = arith.constant 0 : index
      %swap3A_150 = vector.load %arg7[%swap3A_148, %swap3A_149] : memref<1024x128xf32, #tpu.memory_space<vmem>>, vector<1024x128xf32>
      tpu.vector_store %arg7[%swap3A_148, %swap3A_149], %broadcast_in_dim3A_147 {strides = array<i32>} : memref<1024x128xf32, #tpu.memory_space<vmem>>, vector<1024x128xf32>,
      %broadcast_in_dim3A_151 = arith.constant 0.000000e+00 : f32
      %broadcast_in_dim3A_152 = vector.broadcast %broadcast_in_dim3A_151 : f32 to vector<1024x128xf32>
      %swap3A_153 = arith.constant 0 : index
      %swap3A_154 = arith.constant 0 : index
      %swap3A_155 = vector.load %arg8[%swap3A_153, %swap3A_154] : memref<1024x128xf32, #tpu.memory_space<vmem>>, vector<1024x128xf32>
      tpu.vector_store %arg8[%swap3A_153, %swap3A_154], %broadcast_in_dim3A_152 {strides = array<i32>} : memref<1024x128xf32, #tpu.memory_space<vmem>>, vector<1024x128xf32>,
      %broadcast_in_dim3A_156 = arith.constant -1.000000e+30 : f32
      %broadcast_in_dim3A_157 = vector.broadcast %broadcast_in_dim3A_156 : f32 to vector<1024x128xf32>
      %swap3A_158 = arith.constant 0 : index
      %swap3A_159 = arith.constant 0 : index
      %swap3A_160 = vector.load %arg9[%swap3A_158, %swap3A_159] : memref<1024x128xf32, #tpu.memory_space<vmem>>, vector<1024x128xf32>
      tpu.vector_store %arg9[%swap3A_158, %swap3A_159], %broadcast_in_dim3A_157 {strides = array<i32>} : memref<1024x128xf32, #tpu.memory_space<vmem>>, vector<1024x128xf32>,
      %broadcast_in_dim3A_161 = arith.constant -1.000000e+30 : f32
      %broadcast_in_dim3A_162 = vector.broadcast %broadcast_in_dim3A_161 : f32 to vector<1024x128xf32>
      %swap3A_163 = arith.constant 0 : index
      %swap3A_164 = arith.constant 0 : index
      %swap3A_165 = vector.load %arg10[%swap3A_163, %swap3A_164] : memref<1024x128xf32, #tpu.memory_space<vmem>>, vector<1024x128xf32>
      tpu.vector_store %arg10[%swap3A_163, %swap3A_164], %broadcast_in_dim3A_162 {strides = array<i32>} : memref<1024x128xf32, #tpu.memory_space<vmem>>, vector<1024x128xf32>,
    } else {
    }
    %get3A = arith.constant 0 : index
    %get3A_2 = arith.constant 0 : index
    %get3A_3 = vector.load %arg1[%get3A, %get3A_2] : memref<1024x128xf32, #tpu.memory_space<vmem>>, vector<1024x128xf32>
    %mul3A = arith.mulf %get3A_3, %get3A_3 : vector<1024x128xf32>
    %reduce_sum3A = arith.constant dense<0.000000e+00> : vector<1024xf32>
    %reduce_sum3A_4 = vector.multi_reduction <add>, %mul3A, %reduce_sum3A [1] : vector<1024x128xf32> to vector<1024xf32>
    %broadcast_in_dim3A = vector.shape_cast %reduce_sum3A_4 : vector<1024xf32> to vector<1024x1xf32>
    %sqrt3A = math.sqrt %broadcast_in_dim3A : vector<1024x1xf32>
    %max3A = arith.constant 9.99999996E-13 : f32
    %max3A_5 = vector.broadcast %max3A : f32 to vector<1024x1xf32>
    %max3A_6 = arith.maximumf %sqrt3A, %max3A_5 : vector<1024x1xf32>
    %div3A = vector.broadcast %max3A_6 : vector<1024x1xf32> to vector<1024x128xf32>
    %div3A_7 = arith.divf %get3A_3, %div3A : vector<1024x128xf32>
    %get3A_8 = arith.constant 0 : index
    %get3A_9 = arith.constant 0 : index
    %get3A_10 = vector.load %arg2[%get3A_8, %get3A_9] : memref<3072x128xf32, #tpu.memory_space<vmem>>, vector<3072x128xf32>
    %mul3A_11 = arith.constant 3072 : i32
    %mul3A_12 = arith.muli %arg0, %mul3A_11 : i32
    %sub3A = arith.constant 100000 : i32
    %sub3A_13 = arith.subi %sub3A, %mul3A_12 : i32
    %iota3A = tpu.iota {dimensions = array<i32: 0>} : vector<3072x1xi32>
    %lt3A = vector.broadcast %sub3A_13 : i32 to vector<3072x1xi32>
    %lt3A_14 = arith.cmpi slt, %iota3A, %lt3A : vector<3072x1xi32>
    %jit3A = arith.constant 0.000000e+00 : f32
    %broadcast_in_dim3A_15 = vector.shape_cast %lt3A_14 : vector<3072x1xi1> to vector<3072x1xi1>
    %broadcast_in_dim3A_16 = vector.broadcast %broadcast_in_dim3A_15 : vector<3072x1xi1> to vector<3072x128xi1>
    %broadcast_in_dim3A_17 = vector.broadcast %jit3A : f32 to vector<3072x128xf32>
    %select_n3A = arith.select %broadcast_in_dim3A_16, %get3A_10, %broadcast_in_dim3A_17 : vector<3072x128xi1>, vector<3072x128xf32>
    %mul3A_18 = arith.mulf %select_n3A, %select_n3A : vector<3072x128xf32>
    %reduce_sum3A_19 = arith.constant dense<0.000000e+00> : vector<3072xf32>
    %reduce_sum3A_20 = vector.multi_reduction <add>, %mul3A_18, %reduce_sum3A_19 [1] : vector<3072x128xf32> to vector<3072xf32>
    %broadcast_in_dim3A_21 = vector.shape_cast %reduce_sum3A_20 : vector<3072xf32> to vector<3072x1xf32>
    %sqrt3A_22 = math.sqrt %broadcast_in_dim3A_21 : vector<3072x1xf32>
    %max3A_23 = arith.constant 9.99999996E-13 : f32
    %max3A_24 = vector.broadcast %max3A_23 : f32 to vector<3072x1xf32>
    %max3A_25 = arith.maximumf %sqrt3A_22, %max3A_24 : vector<3072x1xf32>
    %div3A_26 = vector.broadcast %max3A_25 : vector<3072x1xf32> to vector<3072x128xf32>
    %div3A_27 = arith.divf %select_n3A, %div3A_26 : vector<3072x128xf32>
    %dot_general3A = arith.constant dense<0.000000e+00> : vector<1024x3072xf32>
    %dot_general3A_28 = tpu.matmul %div3A_7, %div3A_27, %dot_general3A {dimension_numbers = #tpu.dot_dimension_numbers<[1], [1], [0], [0], [0, 0, 1, 0], [], []>, transpose_lhs_hint = false} : vector<1024x128xf32>, vector<3072x128xf32>, vector<1024x3072xf32> -> vector<1024x3072xf32>
    %iota3A_29 = tpu.iota {dimensions = array<i32: 1>} : vector<1024x3072xi32>
    %mul3A_30 = arith.constant 3072 : i32
    %mul3A_31 = arith.muli %arg0, %mul3A_30 : i32
    %add3A = vector.broadcast %mul3A_31 : i32 to vector<1024x3072xi32>
    %add3A_32 = arith.addi %iota3A_29, %add3A : vector<1024x3072xi32>
    %lt3A_33 = arith.constant 100000 : i32
    %lt3A_34 = vector.broadcast %lt3A_33 : i32 to vector<1024x3072xi32>
    %lt3A_35 = arith.cmpi slt, %add3A_32, %lt3A_34 : vector<1024x3072xi32>
    %jit3A_36 = arith.constant -1.000000e+30 : f32
    %broadcast_in_dim3A_37 = vector.broadcast %jit3A_36 : f32 to vector<1024x3072xf32>
    %select_n3A_38 = arith.select %lt3A_35, %dot_general3A_28, %broadcast_in_dim3A_37 : vector<1024x3072xi1>, vector<1024x3072xf32>
    %slice3A = vector.extract_strided_slice %select_n3A_38 {offsets = [0, 0], sizes = [1024, 1024], strides = [1, 1]} : vector<1024x3072xf32> to vector<1024x1024xf32>
    %reduce_max3A = arith.constant dense<0xFF800000> : vector<1024xf32>
    %reduce_max3A_39 = vector.multi_reduction <maximumf>, %slice3A, %reduce_max3A [1] : vector<1024x1024xf32> to vector<1024xf32>
    %broadcast_in_dim3A_40 = vector.shape_cast %reduce_max3A_39 : vector<1024xf32> to vector<1024x1xf32>
    %slice3A_41 = vector.extract_strided_slice %select_n3A_38 {offsets = [0, 1024], sizes = [1024, 1024], strides = [1, 1]} : vector<1024x3072xf32> to vector<1024x1024xf32>
    %reduce_max3A_42 = arith.constant dense<0xFF800000> : vector<1024xf32>
    %reduce_max3A_43 = vector.multi_reduction <maximumf>, %slice3A_41, %reduce_max3A_42 [1] : vector<1024x1024xf32> to vector<1024xf32>
    %broadcast_in_dim3A_44 = vector.shape_cast %reduce_max3A_43 : vector<1024xf32> to vector<1024x1xf32>
    %slice3A_45 = vector.extract_strided_slice %select_n3A_38 {offsets = [0, 2048], sizes = [1024, 1024], strides = [1, 1]} : vector<1024x3072xf32> to vector<1024x1024xf32>
    %reduce_max3A_46 = arith.constant dense<0xFF800000> : vector<1024xf32>
    %reduce_max3A_47 = vector.multi_reduction <maximumf>, %slice3A_45, %reduce_max3A_46 [1] : vector<1024x1024xf32> to vector<1024xf32>
    %broadcast_in_dim3A_48 = vector.shape_cast %reduce_max3A_47 : vector<1024xf32> to vector<1024x1xf32>
    %iota3A_49 = tpu.iota {dimensions = array<i32: 1>} : vector<1024x128xi32>
    %get3A_50 = arith.constant 0 : index
    %get3A_51 = arith.constant 0 : index
    %get3A_52 = vector.load %arg10[%get3A_50, %get3A_51] : memref<1024x128xf32, #tpu.memory_space<vmem>>, vector<1024x128xf32>
    %mul3A_53 = arith.constant 3 : i32
    %mul3A_54 = arith.muli %mul3A_53, %arg0 : i32
    %add3A_55 = arith.constant 0 : i32
    %add3A_56 = arith.addi %mul3A_54, %add3A_55 : i32
    %eq3A_57 = vector.broadcast %add3A_56 : i32 to vector<1024x128xi32>
    %eq3A_58 = arith.cmpi eq, %iota3A_49, %eq3A_57 : vector<1024x128xi32>
    %broadcast_in_dim3A_59 = vector.shape_cast %broadcast_in_dim3A_40 : vector<1024x1xf32> to vector<1024x1xf32>
    %broadcast_in_dim3A_60 = vector.broadcast %broadcast_in_dim3A_59 : vector<1024x1xf32> to vector<1024x128xf32>
    %select_n3A_61 = arith.select %eq3A_58, %broadcast_in_dim3A_60, %get3A_52 : vector<1024x128xi1>, vector<1024x128xf32>
    %mul3A_62 = arith.constant 3 : i32
    %mul3A_63 = arith.muli %mul3A_62, %arg0 : i32
    %add3A_64 = arith.constant 1 : i32
    %add3A_65 = arith.addi %mul3A_63, %add3A_64 : i32
    %eq3A_66 = vector.broadcast %add3A_65 : i32 to vector<1024x128xi32>
    %eq3A_67 = arith.cmpi eq, %iota3A_49, %eq3A_66 : vector<1024x128xi32>
    %broadcast_in_dim3A_68 = vector.shape_cast %broadcast_in_dim3A_44 : vector<1024x1xf32> to vector<1024x1xf32>
    %broadcast_in_dim3A_69 = vector.broadcast %broadcast_in_dim3A_68 : vector<1024x1xf32> to vector<1024x128xf32>
    %select_n3A_70 = arith.select %eq3A_67, %broadcast_in_dim3A_69, %select_n3A_61 : vector<1024x128xi1>, vector<1024x128xf32>
    %mul3A_71 = arith.constant 3 : i32
    %mul3A_72 = arith.muli %mul3A_71, %arg0 : i32
    %add3A_73 = arith.constant 2 : i32
    %add3A_74 = arith.addi %mul3A_72, %add3A_73 : i32
    %eq3A_75 = vector.broadcast %add3A_74 : i32 to vector<1024x128xi32>
    %eq3A_76 = arith.cmpi eq, %iota3A_49, %eq3A_75 : vector<1024x128xi32>
    %broadcast_in_dim3A_77 = vector.shape_cast %broadcast_in_dim3A_48 : vector<1024x1xf32> to vector<1024x1xf32>
    %broadcast_in_dim3A_78 = vector.broadcast %broadcast_in_dim3A_77 : vector<1024x1xf32> to vector<1024x128xf32>
    %select_n3A_79 = arith.select %eq3A_76, %broadcast_in_dim3A_78, %select_n3A_70 : vector<1024x128xi1>, vector<1024x128xf32>
    %swap3A = arith.constant 0 : index
    %swap3A_80 = arith.constant 0 : index
    %swap3A_81 = vector.load %arg10[%swap3A, %swap3A_80] : memref<1024x128xf32, #tpu.memory_space<vmem>>, vector<1024x128xf32>
    tpu.vector_store %arg10[%swap3A, %swap3A_80], %select_n3A_79 {strides = array<i32>} : memref<1024x128xf32, #tpu.memory_space<vmem>>, vector<1024x128xf32>,
    %get3A_82 = arith.constant 0 : index
    %get3A_83 = arith.constant 0 : index
    %get3A_84 = vector.load %arg7[%get3A_82, %get3A_83] : memref<1024x128xf32, #tpu.memory_space<vmem>>, vector<1024x128xf32>
    %slice3A_85 = vector.extract_strided_slice %get3A_84 {offsets = [0, 0], sizes = [1024, 1], strides = [1, 1]} : vector<1024x128xf32> to vector<1024x1xf32>
    %max3A_86 = arith.maximumf %broadcast_in_dim3A_40, %broadcast_in_dim3A_44 : vector<1024x1xf32>
    %max3A_87 = arith.maximumf %max3A_86, %broadcast_in_dim3A_48 : vector<1024x1xf32>
    %max3A_88 = arith.maximumf %slice3A_85, %max3A_87 : vector<1024x1xf32>
    %sub3A_89 = arith.subf %slice3A_85, %max3A_88 : vector<1024x1xf32>
    %exp3A = math.exp %sub3A_89 : vector<1024x1xf32>
    %sub3A_90 = vector.broadcast %max3A_88 : vector<1024x1xf32> to vector<1024x3072xf32>
    %sub3A_91 = arith.subf %select_n3A_38, %sub3A_90 : vector<1024x3072xf32>
    %exp3A_92 = math.exp %sub3A_91 : vector<1024x3072xf32>
    %get3A_93 = arith.constant 0 : index
    %get3A_94 = arith.constant 0 : index
    %get3A_95 = vector.load %arg8[%get3A_93, %get3A_94] : memref<1024x128xf32, #tpu.memory_space<vmem>>, vector<1024x128xf32>
    %slice3A_96 = vector.extract_strided_slice %get3A_95 {offsets = [0, 0], sizes = [1024, 1], strides = [1, 1]} : vector<1024x128xf32> to vector<1024x1xf32>
    %mul3A_97 = arith.mulf %slice3A_96, %exp3A : vector<1024x1xf32>
    %reduce_sum3A_98 = arith.constant dense<0.000000e+00> : vector<1024xf32>
    %reduce_sum3A_99 = vector.multi_reduction <add>, %exp3A_92, %reduce_sum3A_98 [1] : vector<1024x3072xf32> to vector<1024xf32>
    %broadcast_in_dim3A_100 = vector.shape_cast %reduce_sum3A_99 : vector<1024xf32> to vector<1024x1xf32>
    %add3A_101 = arith.addf %mul3A_97, %broadcast_in_dim3A_100 : vector<1024x1xf32>
    %broadcast_in_dim3A_102 = vector.shape_cast %max3A_88 : vector<1024x1xf32> to vector<1024x1xf32>
    %broadcast_in_dim3A_103 = vector.broadcast %broadcast_in_dim3A_102 : vector<1024x1xf32> to vector<1024x128xf32>
    %swap3A_104 = arith.constant 0 : index
    %swap3A_105 = arith.constant 0 : index
    %swap3A_106 = vector.load %arg7[%swap3A_104, %swap3A_105] : memref<1024x128xf32, #tpu.memory_space<vmem>>, vector<1024x128xf32>
    tpu.vector_store %arg7[%swap3A_104, %swap3A_105], %broadcast_in_dim3A_103 {strides = array<i32>} : memref<1024x128xf32, #tpu.memory_space<vmem>>, vector<1024x128xf32>,
    %broadcast_in_dim3A_107 = vector.shape_cast %add3A_101 : vector<1024x1xf32> to vector<1024x1xf32>
    %broadcast_in_dim3A_108 = vector.broadcast %broadcast_in_dim3A_107 : vector<1024x1xf32> to vector<1024x128xf32>
    %swap3A_109 = arith.constant 0 : index
    %swap3A_110 = arith.constant 0 : index
    %swap3A_111 = vector.load %arg8[%swap3A_109, %swap3A_110] : memref<1024x128xf32, #tpu.memory_space<vmem>>, vector<1024x128xf32>
    tpu.vector_store %arg8[%swap3A_109, %swap3A_110], %broadcast_in_dim3A_108 {strides = array<i32>} : memref<1024x128xf32, #tpu.memory_space<vmem>>, vector<1024x128xf32>,
    %ge3A = vector.broadcast %max3A_87 : vector<1024x1xf32> to vector<1024x3072xf32>
    %ge3A_112 = arith.cmpf oge, %select_n3A_38, %ge3A : vector<1024x3072xf32>
    %jit3A_113 = arith.constant -1.000000e+30 : f32
    %broadcast_in_dim3A_114 = vector.broadcast %jit3A_113 : f32 to vector<1024x3072xf32>
    %select_n3A_115 = arith.select %ge3A_112, %broadcast_in_dim3A_114, %select_n3A_38 : vector<1024x3072xi1>, vector<1024x3072xf32>
    %reduce_max3A_116 = arith.constant dense<0xFF800000> : vector<1024xf32>
    %reduce_max3A_117 = vector.multi_reduction <maximumf>, %select_n3A_115, %reduce_max3A_116 [1] : vector<1024x3072xf32> to vector<1024xf32>
    %broadcast_in_dim3A_118 = vector.shape_cast %reduce_max3A_117 : vector<1024xf32> to vector<1024x1xf32>
    %jit3A_119 = arith.constant 1.000000e+00 : f32
    %jit3A_120 = arith.constant 0.000000e+00 : f32
    %broadcast_in_dim3A_121 = vector.broadcast %jit3A_119 : f32 to vector<1024x3072xf32>
    %broadcast_in_dim3A_122 = vector.broadcast %jit3A_120 : f32 to vector<1024x3072xf32>
    %select_n3A_123 = arith.select %ge3A_112, %broadcast_in_dim3A_121, %broadcast_in_dim3A_122 : vector<1024x3072xi1>, vector<1024x3072xf32>
    %reduce_sum3A_124 = arith.constant dense<0.000000e+00> : vector<1024xf32>
    %reduce_sum3A_125 = vector.multi_reduction <add>, %select_n3A_123, %reduce_sum3A_124 [1] : vector<1024x3072xf32> to vector<1024xf32>
    %broadcast_in_dim3A_126 = vector.shape_cast %reduce_sum3A_125 : vector<1024xf32> to vector<1024x1xf32>
    %gt3A = arith.constant 1.000000e+00 : f32
    %gt3A_127 = vector.broadcast %gt3A : f32 to vector<1024x1xf32>
    %gt3A_128 = arith.cmpf ogt, %broadcast_in_dim3A_126, %gt3A_127 : vector<1024x1xf32>
    %select_n3A_129 = arith.select %gt3A_128, %max3A_87, %broadcast_in_dim3A_118 : vector<1024x1xi1>, vector<1024x1xf32>
    %get3A_130 = arith.constant 0 : index
    %get3A_131 = arith.constant 0 : index
    %get3A_132 = vector.load %arg9[%get3A_130, %get3A_131] : memref<1024x128xf32, #tpu.memory_space<vmem>>, vector<1024x128xf32>
    %slice3A_133 = vector.extract_strided_slice %get3A_132 {offsets = [0, 0], sizes = [1024, 1], strides = [1, 1]} : vector<1024x128xf32> to vector<1024x1xf32>
    %min3A = arith.minimumf %slice3A_85, %max3A_87 : vector<1024x1xf32>
    %max3A_134 = arith.maximumf %slice3A_133, %select_n3A_129 : vector<1024x1xf32>
    %max3A_135 = arith.maximumf %min3A, %max3A_134 : vector<1024x1xf32>
    %broadcast_in_dim3A_136 = vector.shape_cast %max3A_135 : vector<1024x1xf32> to vector<1024x1xf32>
    %broadcast_in_dim3A_137 = vector.broadcast %broadcast_in_dim3A_136 : vector<1024x1xf32> to vector<1024x128xf32>
    %swap3A_138 = arith.constant 0 : index
    %swap3A_139 = arith.constant 0 : index
    %swap3A_140 = vector.load %arg9[%swap3A_138, %swap3A_139] : memref<1024x128xf32, #tpu.memory_space<vmem>>, vector<1024x128xf32>
    tpu.vector_store %arg9[%swap3A_138, %swap3A_139], %broadcast_in_dim3A_137 {strides = array<i32>} : memref<1024x128xf32, #tpu.memory_space<vmem>>, vector<1024x128xf32>,
    %eq3A_141 = arith.constant 32 : i32
    %eq3A_142 = arith.cmpi eq, %arg0, %eq3A_141 : i32
    %convert_element_type3A_143 = arith.extui %eq3A_142 : i1 to i32
    %cond3A_144 = arith.constant 0 : i32
    %cond3A_145 = arith.cmpi ne, %convert_element_type3A_143, %cond3A_144 : i32
    scf.if %cond3A_145 {
      %broadcast_in_dim3A_146 = vector.shape_cast %max3A_88 : vector<1024x1xf32> to vector<1024x1xf32>
      %broadcast_in_dim3A_147 = vector.broadcast %broadcast_in_dim3A_146 : vector<1024x1xf32> to vector<1024x128xf32>
      %swap3A_148 = arith.constant 0 : index
      %swap3A_149 = arith.constant 0 : index
      %swap3A_150 = vector.load %arg3[%swap3A_148, %swap3A_149] : memref<1024x128xf32, #tpu.memory_space<vmem>>, vector<1024x128xf32>
      tpu.vector_store %arg3[%swap3A_148, %swap3A_149], %broadcast_in_dim3A_147 {strides = array<i32>} : memref<1024x128xf32, #tpu.memory_space<vmem>>, vector<1024x128xf32>,
      %broadcast_in_dim3A_151 = vector.shape_cast %add3A_101 : vector<1024x1xf32> to vector<1024x1xf32>
      %broadcast_in_dim3A_152 = vector.broadcast %broadcast_in_dim3A_151 : vector<1024x1xf32> to vector<1024x128xf32>
      %swap3A_153 = arith.constant 0 : index
      %swap3A_154 = arith.constant 0 : index
      %swap3A_155 = vector.load %arg4[%swap3A_153, %swap3A_154] : memref<1024x128xf32, #tpu.memory_space<vmem>>, vector<1024x128xf32>
      tpu.vector_store %arg4[%swap3A_153, %swap3A_154], %broadcast_in_dim3A_152 {strides = array<i32>} : memref<1024x128xf32, #tpu.memory_space<vmem>>, vector<1024x128xf32>,
      %broadcast_in_dim3A_156 = vector.shape_cast %max3A_135 : vector<1024x1xf32> to vector<1024x1xf32>
      %broadcast_in_dim3A_157 = vector.broadcast %broadcast_in_dim3A_156 : vector<1024x1xf32> to vector<1024x128xf32>
      %swap3A_158 = arith.constant 0 : index
      %swap3A_159 = arith.constant 0 : index
      %swap3A_160 = vector.load %arg5[%swap3A_158, %swap3A_159] : memref<1024x128xf32, #tpu.memory_space<vmem>>, vector<1024x128xf32>
      tpu.vector_store %arg5[%swap3A_158, %swap3A_159], %broadcast_in_dim3A_157 {strides = array<i32>} : memref<1024x128xf32, #tpu.memory_space<vmem>>, vector<1024x128xf32>,
      %get3A_161 = arith.constant 0 : index
      %get3A_162 = arith.constant 0 : index
      %get3A_163 = vector.load %arg10[%get3A_161, %get3A_162] : memref<1024x128xf32, #tpu.memory_space<vmem>>, vector<1024x128xf32>
      %reduce_max3A_164 = arith.constant dense<0xFF800000> : vector<1024xf32>
      %reduce_max3A_165 = vector.multi_reduction <maximumf>, %get3A_163, %reduce_max3A_164 [1] : vector<1024x128xf32> to vector<1024xf32>
      %broadcast_in_dim3A_166 = vector.shape_cast %reduce_max3A_165 : vector<1024xf32> to vector<1024x1xf32>
      %ge3A_167 = vector.broadcast %broadcast_in_dim3A_166 : vector<1024x1xf32> to vector<1024x128xf32>
      %ge3A_168 = arith.cmpf oge, %get3A_163, %ge3A_167 : vector<1024x128xf32>
      %jit3A_169 = arith.constant 2147483647 : i32
      %broadcast_in_dim3A_170 = vector.broadcast %jit3A_169 : i32 to vector<1024x128xi32>
      %select_n3A_171 = arith.select %ge3A_168, %iota3A_49, %broadcast_in_dim3A_170 : vector<1024x128xi1>, vector<1024x128xi32>
      %reduce_min3A = arith.constant dense<2147483647> : vector<1024xi32>
      %reduce_min3A_172 = vector.multi_reduction <minsi>, %select_n3A_171, %reduce_min3A [1] : vector<1024x128xi32> to vector<1024xi32>
      %broadcast_in_dim3A_173 = vector.shape_cast %reduce_min3A_172 : vector<1024xi32> to vector<1024x1xi32>
      %eq3A_174 = vector.broadcast %broadcast_in_dim3A_173 : vector<1024x1xi32> to vector<1024x128xi32>
      %eq3A_175 = arith.cmpi eq, %iota3A_49, %eq3A_174 : vector<1024x128xi32>
      %jit3A_176 = arith.constant -1.000000e+30 : f32
      %broadcast_in_dim3A_177 = vector.broadcast %jit3A_176 : f32 to vector<1024x128xf32>
      %select_n3A_178 = arith.select %eq3A_175, %broadcast_in_dim3A_177, %get3A_163 : vector<1024x128xi1>, vector<1024x128xf32>
      %reduce_max3A_179 = arith.constant dense<0xFF800000> : vector<1024xf32>
      %reduce_max3A_180 = vector.multi_reduction <maximumf>, %select_n3A_178, %reduce_max3A_179 [1] : vector<1024x128xf32> to vector<1024xf32>
      %broadcast_in_dim3A_181 = vector.shape_cast %reduce_max3A_180 : vector<1024xf32> to vector<1024x1xf32>
      %ge3A_182 = vector.broadcast %broadcast_in_dim3A_181 : vector<1024x1xf32> to vector<1024x128xf32>
      %ge3A_183 = arith.cmpf oge, %select_n3A_178, %ge3A_182 : vector<1024x128xf32>
      %jit3A_184 = arith.constant 2147483647 : i32
      %broadcast_in_dim3A_185 = vector.broadcast %jit3A_184 : i32 to vector<1024x128xi32>
      %select_n3A_186 = arith.select %ge3A_183, %iota3A_49, %broadcast_in_dim3A_185 : vector<1024x128xi1>, vector<1024x128xi32>
      %reduce_min3A_187 = arith.constant dense<2147483647> : vector<1024xi32>
      %reduce_min3A_188 = vector.multi_reduction <minsi>, %select_n3A_186, %reduce_min3A_187 [1] : vector<1024x128xi32> to vector<1024xi32>
      %broadcast_in_dim3A_189 = vector.shape_cast %reduce_min3A_188 : vector<1024xi32> to vector<1024x1xi32>
      %eq3A_190 = vector.broadcast %broadcast_in_dim3A_189 : vector<1024x1xi32> to vector<1024x128xi32>
      %eq3A_191 = arith.cmpi eq, %iota3A_49, %eq3A_190 : vector<1024x128xi32>
      %jit3A_192 = arith.constant -1.000000e+30 : f32
      %broadcast_in_dim3A_193 = vector.broadcast %jit3A_192 : f32 to vector<1024x128xf32>
      %select_n3A_194 = arith.select %eq3A_191, %broadcast_in_dim3A_193, %select_n3A_178 : vector<1024x128xi1>, vector<1024x128xf32>
      %reduce_max3A_195 = arith.constant dense<0xFF800000> : vector<1024xf32>
      %reduce_max3A_196 = vector.multi_reduction <maximumf>, %select_n3A_194, %reduce_max3A_195 [1] : vector<1024x128xf32> to vector<1024xf32>
      %broadcast_in_dim3A_197 = vector.shape_cast %reduce_max3A_196 : vector<1024xf32> to vector<1024x1xf32>
      %ge3A_198 = vector.broadcast %broadcast_in_dim3A_197 : vector<1024x1xf32> to vector<1024x128xf32>
      %ge3A_199 = arith.cmpf oge, %select_n3A_194, %ge3A_198 : vector<1024x128xf32>
      %jit3A_200 = arith.constant 2147483647 : i32
      %broadcast_in_dim3A_201 = vector.broadcast %jit3A_200 : i32 to vector<1024x128xi32>
      %select_n3A_202 = arith.select %ge3A_199, %iota3A_49, %broadcast_in_dim3A_201 : vector<1024x128xi1>, vector<1024x128xi32>
      %reduce_min3A_203 = arith.constant dense<2147483647> : vector<1024xi32>
      %reduce_min3A_204 = vector.multi_reduction <minsi>, %select_n3A_202, %reduce_min3A_203 [1] : vector<1024x128xi32> to vector<1024xi32>
      %broadcast_in_dim3A_205 = vector.shape_cast %reduce_min3A_204 : vector<1024xi32> to vector<1024x1xi32>
      %eq3A_206 = vector.broadcast %broadcast_in_dim3A_205 : vector<1024x1xi32> to vector<1024x128xi32>
      %eq3A_207 = arith.cmpi eq, %iota3A_49, %eq3A_206 : vector<1024x128xi32>
      %jit3A_208 = arith.constant -1.000000e+30 : f32
      %broadcast_in_dim3A_209 = vector.broadcast %jit3A_208 : f32 to vector<1024x128xf32>
      %select_n3A_210 = arith.select %eq3A_207, %broadcast_in_dim3A_209, %select_n3A_194 : vector<1024x128xi1>, vector<1024x128xf32>
      %reduce_max3A_211 = arith.constant dense<0xFF800000> : vector<1024xf32>
      %reduce_max3A_212 = vector.multi_reduction <maximumf>, %select_n3A_210, %reduce_max3A_211 [1] : vector<1024x128xf32> to vector<1024xf32>
      %broadcast_in_dim3A_213 = vector.shape_cast %reduce_max3A_212 : vector<1024xf32> to vector<1024x1xf32>
      %ge3A_214 = vector.broadcast %broadcast_in_dim3A_213 : vector<1024x1xf32> to vector<1024x128xf32>
      %ge3A_215 = arith.cmpf oge, %select_n3A_210, %ge3A_214 : vector<1024x128xf32>
      %jit3A_216 = arith.constant 2147483647 : i32
      %broadcast_in_dim3A_217 = vector.broadcast %jit3A_216 : i32 to vector<1024x128xi32>
      %select_n3A_218 = arith.select %ge3A_215, %iota3A_49, %broadcast_in_dim3A_217 : vector<1024x128xi1>, vector<1024x128xi32>
      %reduce_min3A_219 = arith.constant dense<2147483647> : vector<1024xi32>
      %reduce_min3A_220 = vector.multi_reduction <minsi>, %select_n3A_218, %reduce_min3A_219 [1] : vector<1024x128xi32> to vector<1024xi32>
      %broadcast_in_dim3A_221 = vector.shape_cast %reduce_min3A_220 : vector<1024xi32> to vector<1024x1xi32>
      %eq3A_222 = vector.broadcast %broadcast_in_dim3A_221 : vector<1024x1xi32> to vector<1024x128xi32>
      %eq3A_223 = arith.cmpi eq, %iota3A_49, %eq3A_222 : vector<1024x128xi32>
      %jit3A_224 = arith.constant -1.000000e+30 : f32
      %broadcast_in_dim3A_225 = vector.broadcast %jit3A_224 : f32 to vector<1024x128xf32>
      %select_n3A_226 = arith.select %eq3A_223, %broadcast_in_dim3A_225, %select_n3A_210 : vector<1024x128xi1>, vector<1024x128xf32>
      %reduce_max3A_227 = arith.constant dense<0xFF800000> : vector<1024xf32>
      %reduce_max3A_228 = vector.multi_reduction <maximumf>, %select_n3A_226, %reduce_max3A_227 [1] : vector<1024x128xf32> to vector<1024xf32>
      %broadcast_in_dim3A_229 = vector.shape_cast %reduce_max3A_228 : vector<1024xf32> to vector<1024x1xf32>
      %ge3A_230 = vector.broadcast %broadcast_in_dim3A_229 : vector<1024x1xf32> to vector<1024x128xf32>
      %ge3A_231 = arith.cmpf oge, %select_n3A_226, %ge3A_230 : vector<1024x128xf32>
      %jit3A_232 = arith.constant 2147483647 : i32
      %broadcast_in_dim3A_233 = vector.broadcast %jit3A_232 : i32 to vector<1024x128xi32>
      %select_n3A_234 = arith.select %ge3A_231, %iota3A_49, %broadcast_in_dim3A_233 : vector<1024x128xi1>, vector<1024x128xi32>
      %reduce_min3A_235 = arith.constant dense<2147483647> : vector<1024xi32>
      %reduce_min3A_236 = vector.multi_reduction <minsi>, %select_n3A_234, %reduce_min3A_235 [1] : vector<1024x128xi32> to vector<1024xi32>
      %broadcast_in_dim3A_237 = vector.shape_cast %reduce_min3A_236 : vector<1024xi32> to vector<1024x1xi32>
      %broadcast_in_dim3A_238 = arith.constant 0 : i32
      %broadcast_in_dim3A_239 = vector.broadcast %broadcast_in_dim3A_238 : i32 to vector<1024x128xi32>
      %eq3A_240 = arith.constant 0 : i32
      %eq3A_241 = vector.broadcast %eq3A_240 : i32 to vector<1024x128xi32>
      %eq3A_242 = arith.cmpi eq, %iota3A_49, %eq3A_241 : vector<1024x128xi32>
      %broadcast_in_dim3A_243 = vector.shape_cast %broadcast_in_dim3A_173 : vector<1024x1xi32> to vector<1024x1xi32>
      %broadcast_in_dim3A_244 = vector.broadcast %broadcast_in_dim3A_243 : vector<1024x1xi32> to vector<1024x128xi32>
      %select_n3A_245 = arith.select %eq3A_242, %broadcast_in_dim3A_244, %broadcast_in_dim3A_239 : vector<1024x128xi1>, vector<1024x128xi32>
      %eq3A_246 = arith.constant 1 : i32
      %eq3A_247 = vector.broadcast %eq3A_246 : i32 to vector<1024x128xi32>
      %eq3A_248 = arith.cmpi eq, %iota3A_49, %eq3A_247 : vector<1024x128xi32>
      %broadcast_in_dim3A_249 = vector.shape_cast %broadcast_in_dim3A_189 : vector<1024x1xi32> to vector<1024x1xi32>
      %broadcast_in_dim3A_250 = vector.broadcast %broadcast_in_dim3A_249 : vector<1024x1xi32> to vector<1024x128xi32>
      %select_n3A_251 = arith.select %eq3A_248, %broadcast_in_dim3A_250, %select_n3A_245 : vector<1024x128xi1>, vector<1024x128xi32>
      %eq3A_252 = arith.constant 2 : i32
      %eq3A_253 = vector.broadcast %eq3A_252 : i32 to vector<1024x128xi32>
      %eq3A_254 = arith.cmpi eq, %iota3A_49, %eq3A_253 : vector<1024x128xi32>
      %broadcast_in_dim3A_255 = vector.shape_cast %broadcast_in_dim3A_205 : vector<1024x1xi32> to vector<1024x1xi32>
      %broadcast_in_dim3A_256 = vector.broadcast %broadcast_in_dim3A_255 : vector<1024x1xi32> to vector<1024x128xi32>
      %select_n3A_257 = arith.select %eq3A_254, %broadcast_in_dim3A_256, %select_n3A_251 : vector<1024x128xi1>, vector<1024x128xi32>
      %eq3A_258 = arith.constant 3 : i32
      %eq3A_259 = vector.broadcast %eq3A_258 : i32 to vector<1024x128xi32>
      %eq3A_260 = arith.cmpi eq, %iota3A_49, %eq3A_259 : vector<1024x128xi32>
      %broadcast_in_dim3A_261 = vector.shape_cast %broadcast_in_dim3A_221 : vector<1024x1xi32> to vector<1024x1xi32>
      %broadcast_in_dim3A_262 = vector.broadcast %broadcast_in_dim3A_261 : vector<1024x1xi32> to vector<1024x128xi32>
      %select_n3A_263 = arith.select %eq3A_260, %broadcast_in_dim3A_262, %select_n3A_257 : vector<1024x128xi1>, vector<1024x128xi32>
      %eq3A_264 = arith.constant 4 : i32
      %eq3A_265 = vector.broadcast %eq3A_264 : i32 to vector<1024x128xi32>
      %eq3A_266 = arith.cmpi eq, %iota3A_49, %eq3A_265 : vector<1024x128xi32>
      %broadcast_in_dim3A_267 = vector.shape_cast %broadcast_in_dim3A_237 : vector<1024x1xi32> to vector<1024x1xi32>
      %broadcast_in_dim3A_268 = vector.broadcast %broadcast_in_dim3A_267 : vector<1024x1xi32> to vector<1024x128xi32>
      %select_n3A_269 = arith.select %eq3A_266, %broadcast_in_dim3A_268, %select_n3A_263 : vector<1024x128xi1>, vector<1024x128xi32>
      %swap3A_270 = arith.constant 0 : index
      %swap3A_271 = arith.constant 0 : index
      %swap3A_272 = vector.load %arg6[%swap3A_270, %swap3A_271] : memref<1024x128xi32, #tpu.memory_space<vmem>>, vector<1024x128xi32>
      tpu.vector_store %arg6[%swap3A_270, %swap3A_271], %select_n3A_269 {strides = array<i32>} : memref<1024x128xi32, #tpu.memory_space<vmem>>, vector<1024x128xi32>,
    } else {
    }
    return
  }
  func.func @transform_0(%arg0: i32) -> (i32, i32) {
    %c0_i32 = arith.constant 0 : i32
    %c0_i32_0 = arith.constant 0 : i32
    %c0_i32_1 = arith.constant 0 : i32
    return %c0_i32, %c0_i32_0 : i32, i32
  }
  func.func @transform_1(%arg0: i32) -> (i32, i32) {
    %c0_i32 = arith.constant 0 : i32
    %c0_i32_0 = arith.constant 0 : i32
    return %arg0, %c0_i32 : i32, i32
  }
  func.func @transform_2(%arg0: i32) -> (i32, i32) {
    %c0_i32 = arith.constant 0 : i32
    %c0_i32_0 = arith.constant 0 : i32
    %c0_i32_1 = arith.constant 0 : i32
    return %c0_i32, %c0_i32_0 : i32, i32
  }
  func.func @transform_3(%arg0: i32) -> (i32, i32) {
    %c0_i32 = arith.constant 0 : i32
    %c0_i32_0 = arith.constant 0 : i32
    %c0_i32_1 = arith.constant 0 : i32
    return %c0_i32, %c0_i32_0 : i32, i32
  }
  func.func @transform_4(%arg0: i32) -> (i32, i32) {
    %c0_i32 = arith.constant 0 : i32
    %c0_i32_0 = arith.constant 0 : i32
    %c0_i32_1 = arith.constant 0 : i32
    return %c0_i32, %c0_i32_0 : i32, i32
  }
  func.func @transform_5(%arg0: i32) -> (i32, i32) {
    %c0_i32 = arith.constant 0 : i32
    %c0_i32_0 = arith.constant 0 : i32
    %c0_i32_1 = arith.constant 0 : i32
    return %c0_i32, %c0_i32_0 : i32, i32
  }
}

</mosaic_0001>

<sc_bundles>
// kernel: kernel.6.cloned.1.call-start
scs
__scs_entry_jumppad:
0x0: {  	(pc) =	sbr.rel $0x88, $3  }
0x1: {  	(tag) =	ssettag $0x0;
	lr =	simm.s32 $0x1  }
0x2: {  	[smem:$0x3F9F] =	sst lr;
	_ =	strace $0xD0000000  }
0x3: {  	_ = 	snop  }
0x4: {  	_ = 	snop  }
0x5: {  	_ = 	snop  }
0x6: {  	_ = 	snop  }
0x7: {  	_ = 	snop  }
__scs_overlays_trampoline_lowered:
0x8: {  	[smem:$0x3FAE] =	sst s0  }
0x9: {  	[smem:$0x3FAF] =	sst s1  }
0xa: {  	[smem:$0x3FB0] =	sst s2  }
0xb: {  	[smem:$0x3FB1] =	sst s3  }
0xc: {  	[smem:$0x3FB2] =	sst s4  }
0xd: {  	[smem:$0x3FB3] =	sst s5  }
0xe: {  	[smem:$0x3FB4] =	sst s6  }
0xf: {  	[smem:$0x3FB5] =	sst s7  }
0x10: {  	[smem:$0x3FB6] =	sst s8  }
0x11: {  	[smem:$0x3FB7] =	sst s9;
	s0 =	simm.s32 @!p0 $0x0  }
0x12: {  	s1 =	sld [smem:$0x3F9D];
	s0 =	simm.s32 @p0 $0x1  }
0x13: {  	[smem:$0x3FB8] =	sst s0;
	s0 =	simm.s32 @!p1 $0x0  }
0x14: {  	s2 =	sld [smem:$0x3F9C];
	s0 =	simm.s32 @p1 $0x1  }
0x15: {  	[smem:$0x3FB9] =	sst s0;
	s0 =	simm.s32 @!p2 $0x0  }
0x16: {  	s3 =	sld [smem:$0x3FDB];
	s0 =	simm.s32 @p2 $0x1  }
0x17: {  	s4 =	simm.s32 $0x1BF5;
	[smem:$0x3FBB] =	sst s0  }
0x18: {  	s0 =	sld [smem:$0x3F9E];
	_ =	swait.ge [sflag:s4], $0x0  }
0x19: {  	s7 =	sld [smem:$0x3F9F]  }
0x1a: {  	s8 =	sadd.s32 $0xFFFFE003, lr  }
0x1b: {  	s9 =	sadd.s32 $0xFFFFFEF7, lr;
	s5 =	simm.s32 $0xFFFFFFFF;
	p2 =	slt.u32 s8, $0xFFFFF086  }
0x1c: {  	p1 =	slt.u32 s9, $0xF7A;
	s5 =	simm.s32 @!p2 $0x0  }
0x1d: {  	s5 =	simm.s32 @p1 $0x1;
	p0 =	seq.s32 s7, s2  }
0x1e: {  	s7 =	smul.u32 @!p0 $0xF7A, s2;
	p2 =	seq.s32 @!p0 s5, $0x0  }
0x1f: {  	s9 =	smul.u32 $0xF7A, s1;
	s8 =	simm.s32 @!p0 $0x1BF5;
	p2 =	por !p2, p0  }
0x20: {  	[sflag:s8] =	ssyncset.s32 @!p0 $0xFFFFF086;
	s6 =	sadd.s32 @!p0 s3, s7;
	s7 =	simm.s32 @!p0 $0x108  }
0x21: {  	s3 =	sadd.s32 s3, s9;
	s6 =	sadd.s32 @!p0 $0x88, s6;
	s7 =	simm.s32 @p2 $0x1082  }
0x22: {  	[simem:s7], [sflag:s8] =	dma.local @!p0 [hbm:s6], $0xF7A  }
0x23: {  	s9 =	sor.u32 $0xD0000000, s2;
	s6 =	simm.s32 $0x108;
	_ =	swait.ge @!p0 [sflag:s8], $0x0  }
0x24: {  	s3 =	sadd.s32 $0x88, s3;
	s6 =	simm.s32 @!p1 $0x1082;
	[sflag:s4] =	ssyncset.s32 $0xFFFFF086  }
0x25: {  	[simem:s6], [sflag:s4] =	dma.local [hbm:s3], $0xF7A  }
0x26: {  	[smem:$0x3F9F] =	sst s1;
	(tag) =	ssettag s2;
	_ =	strace s9  }
0x27: {  	s1 =	sld [smem:$0x3FAF]  }
0x28: {  	s2 =	sld [smem:$0x3FB0]  }
0x29: {  	s4 =	sld [smem:$0x3FB2]  }
0x2a: {  	p0 =	seq.s32 s5, $0x0;
	s5 =	sld [smem:$0x3FB3]  }
0x2b: {  	s6 =	sld [smem:$0x3FB4]  }
0x2c: {  	s7 =	sld [smem:$0x3FB5]  }
0x2d: {  	s3 =	simm.s32 $0x108;
	s8 =	sld [smem:$0x3FB6]  }
0x2e: {  	s3 =	simm.s32 @!p0 $0x1082;
	s9 =	sld [smem:$0x3FB7]  }
0x2f: {  	lr =	sadd.s32 s0, s3;
	s0 =	sld [smem:$0x3FAE]  }
0x30: {  	s3 =	sld [smem:$0x3FB1]  }
0x31: {  	[smem:$0x3FBA] =	sst s10  }
0x32: {  	s10 =	sld [smem:$0x3FB8];
	_ =	sdelay $0x3  }
0x33: {  	p0 =	seq.s32 s10, $0x1;
	s10 =	sld [smem:$0x3FBA];
	_ =	sdelay $0x3  }
0x34: {  	[smem:$0x3FBA] =	sst s10  }
0x35: {  	s10 =	sld [smem:$0x3FB9];
	_ =	sdelay $0x3  }
0x36: {  	p1 =	seq.s32 s10, $0x1;
	s10 =	sld [smem:$0x3FBA];
	_ =	sdelay $0x3  }
0x37: {  	[smem:$0x3FBA] =	sst s10  }
0x38: {  	s10 =	sld [smem:$0x3FBB]  }
0x39: {  	_ = 	snop;
	(pc) =	sbr.ind lr, $3  }
0x3a: {  	_ = 	snop  }
0x3b: {  	_ = 	snop  }
0x3c: {  	p2 =	seq.s32 s10, $0x1;
	s10 =	sld [smem:$0x3FBA]  }
0x3d: {  	_ =	shalt  }
0x3e: {  	_ =	shalt  }
0x3f: {  	_ =	shalt  }
0x40: {  	_ =	shalt  }
0x41: {  	_ =	shalt  }
0x42: {  	_ =	shalt  }
0x43: {  	_ =	shalt  }
0x44: {  	_ =	shalt  }
0x45: {  	_ =	shalt  }
0x46: {  	_ =	shalt  }
0x47: {  	_ =	shalt  }
0x48: {  	_ =	shalt  }
0x49: {  	_ =	shalt  }
0x4a: {  	_ =	shalt  }
0x4b: {  	_ =	shalt  }
0x4c: {  	_ =	shalt  }
0x4d: {  	_ =	shalt  }
0x4e: {  	_ =	shalt  }
0x4f: {  	_ =	shalt  }
0x50: {  	_ =	shalt  }
0x51: {  	_ =	shalt  }
0x52: {  	_ =	shalt  }
0x53: {  	_ =	shalt  }
0x54: {  	_ =	shalt  }
0x55: {  	_ =	shalt  }
0x56: {  	_ =	shalt  }
0x57: {  	_ =	shalt  }
0x58: {  	_ =	shalt  }
0x59: {  	_ =	shalt  }
0x5a: {  	_ =	shalt  }
0x5b: {  	_ =	shalt  }
0x5c: {  	_ =	shalt  }
0x5d: {  	_ =	shalt  }
0x5e: {  	_ =	shalt  }
0x5f: {  	_ =	shalt  }
0x60: {  	_ =	shalt  }
0x61: {  	_ =	shalt  }
0x62: {  	_ =	shalt  }
0x63: {  	_ =	shalt  }
0x64: {  	_ =	shalt  }
0x65: {  	_ =	shalt  }
0x66: {  	_ =	shalt  }
0x67: {  	_ =	shalt  }
0x68: {  	_ =	shalt  }
0x69: {  	_ =	shalt  }
0x6a: {  	_ =	shalt  }
0x6b: {  	_ =	shalt  }
0x6c: {  	_ =	shalt  }
0x6d: {  	_ =	shalt  }
0x6e: {  	_ =	shalt  }
0x6f: {  	_ =	shalt  }
0x70: {  	_ =	shalt  }
0x71: {  	_ =	shalt  }
0x72: {  	_ =	shalt  }
0x73: {  	_ =	shalt  }
0x74: {  	_ =	shalt  }
0x75: {  	_ =	shalt  }
0x76: {  	_ =	shalt  }
0x77: {  	_ =	shalt  }
0x78: {  	_ =	shalt  }
0x79: {  	_ =	shalt  }
0x7a: {  	_ =	shalt  }
0x7b: {  	_ =	shalt  }
0x7c: {  	_ =	shalt  }
0x7d: {  	_ =	shalt  }
0x7e: {  	_ =	shalt  }
0x7f: {  	_ =	shalt  }
0x80: {  	_ =	shalt  }
0x81: {  	_ =	shalt  }
0x82: {  	_ =	shalt  }
0x83: {  	_ =	shalt  }
0x84: {  	_ =	shalt  }
0x85: {  	_ =	shalt  }
0x86: {  	_ =	shalt  }
0x87: {  	_ =	shalt  }
.Lfunc_end0:
.L_simem_size_0:
called_computation_lowered:
.L_overlay_start_0:
0x88: {  	s2 =	sld [smem:$0x3FD9]  }
0x89: {  	s3 =	sld [smem:$0x3FFE];
	_ =	sdelay $0x1  }
0x8a: {  	s1 =	srdreg.scid  }
0x8b: {  	s0 =	sand.u32 $0x1, s1  }
0x8c: {  	s16 =	sshll.u32 s0, $0xA;
	s2 =	sadd.s32 s3, s2  }
0x8d: {  	s2 =	sadd.s32 s2, s16  }
0x8e: {  	[smem:$0x3FC6] =	sst s2  }
0x8f: {  	_ = 	snop  }
0x90: {  	(tm) =	ssettm $0x1  }
0x91: {  	s17 =	sld [smem:$0x3FFB];
	_ =	sdelay $0x3  }
0x92: {  	_ =	strace s17  }
0x93: {  	s2 =	sld [smem:$0x3FFC];
	_ =	sdelay $0x3  }
0x94: {  	_ =	strace s2  }
0x95: {  	s2 =	sld [smem:$0x3FFD];
	_ =	sdelay $0x3  }
0x96: {  	_ =	strace s2  }
0x97: {  	_ =	strace $0x8FFFFFFF  }
0x98: {  	s18 =	sld [smem:$0x3FDB];
	_ =	sdelay $0x1  }
0x99: {  	s19 =	simm.s32 $_scs_section_size  }
0x9a: {  	s4 =	simm.s32 $_size__tile_overlayer_lowered;
	s5 =	simm.s32 $_tile_overlayer_lowered  }
0x9b: {  	s22 =	simm.s32 $0x1BFF;
	s21 =	sshll.u32 s5, $0x1;
	s2 =	sadd.s32 s19, s18  }
0x9c: {  	s6 =	simm.s32 $0x0;
	s20 =	sshll.u32 s4, $0x1;
	s4 =	sadd.s32 s21, s2  }
0x9d: {  	[timem:s6], [sflag:s22] =	dma.local [hbm:s4], s20  }
0x9e: {  	_ =	swait.ge [sflag:s22], s20  }
0x9f: {  	s3 =	ssub.s32 $0x0, s20;
	[sflag:s22] =	ssyncset.done $0x0  }
0xa0: {  	[sflag:s22] =	ssyncadd.s32 s3;
	_ =	sdelay $0x1  }
0xa1: {  	s23 =	simm.s32 $0x1B8B  }
0xa2: {  	_ =	swait.ge [sflag:s23], $0x1  }
0xa3: {  	[sflag:s23] =	ssyncset.done $0x0  }
0xa4: {  	s25 =	simm.s32 $0x1B8E;
	s24 =	sld [smem:$0x3FFE];
	[sflag:s23] =	ssyncadd.s32 $0xFFFFFFFF  }
0xa5: {  	s26 =	simm.s32 $execute0_lowered;
	[smem:$0x3FD2] =	sst s25  }
0xa6: {  	s4 =	sshll.u32 s26, $0x1;
	_ =	strace $0x80000046;
	[dreg:$0x1] =	wrdreg $0xFFFFFFFF  }
0xa7: {  	s28 =	simm.s32 $_size_execute0_lowered;
	s2 =	sadd.s32 s2, s4;
	[dreg:$0x0] =	wrdreg $0x0  }
0xa8: {  	s4 =	sshll.u32 s28, $0x1;
	[dreg:$0x2] =	wrdreg s2  }
0xa9: {  	[dreg:$0x3] =	wrdreg s4  }
0xaa: {  	[dreg:$0x4] =	wrdreg $0xC0  }
0xab: {  	_ =	task [dreg:s6], $0x5FFFF  }
0xac: {  	[dreg:$0x1] =	wrdreg $0xFFFFFFFF  }
0xad: {  	[dreg:$0x0] =	wrdreg $0x60  }
0xae: {  	[dreg:$0x2] =	wrdreg s24  }
0xaf: {  	[dreg:$0x3] =	wrdreg $0x9  }
0xb0: {  	_ =	task.clear_ibuf [dreg:s6], $0x4FFFF;
	_ =	strace $0x90000046  }
0xb1: {  	s29 =	simm.s32 $0x9;
	_ =	strace $0x80000048  }
0xb2: {  	_ =	swait.ge [sflag:s29], $0x1  }
0xb3: {  	[sflag:s29] =	ssyncadd.s32 $0xFFFFFFFF  }
0xb4: {  	_ =	strace $0x90000048  }
0xb5: {  	_ =	sfence  }
0xb6: {  	s30 =	sld [smem:$0x0];
	_ =	sdelay $0x2  }
0xb7: {  	s31 =	sshll.u32 s1, $0xD;
	s1 =	sshrl.u32 s1, $0x2  }
0xb8: {  	s3 =	sand.u32 $0x4000, s31;
	s1 =	sadd.s32 s1, s30  }
0xb9: {  	s0 =	sor.u32 s3, s0;
	s1 =	sshll.u32 s1, $0x11  }
0xba: {  	s0 =	sor.u32 s1, s0  }
0xbb: {  	s0 =	sadd.s32 $0x8F2B, s0  }
0xbc: {  	[sflag:s0] =	ssyncadd.remote.s32 $0x1  }
0xbd: {  	_ =	sfence.sel $0xFFFF  }
0xbe: {  	[dreg:$0x0] =	wrdreg $0xFFFFFFFF;
	(pc) =	sbr.abs _section_cstart, $3  }
0xbf: {  	[dreg:$0x1] =	wrdreg $0xFFFFFFFF  }
0xc0: {  	_ =	task.clear_ibuf [dreg:s6], $0x2FFFF;
	_ =	strace $0x9FFFFFFF  }
0xc1: {  	(tm) =	ssettm $0x7FFFFFFF  }
tec
execute0_lowered:
.L_overlay_start_1:
0x0: {  	(tag) =	ssettag $0x1  }
0x1: {  	s0 =	rddreg [dreg:$0x0];
	s1 =	srdreg.scid  }
0x2: {  	s2 =	simm.s32 $0x0;
	s3 =	stileid.u32;
	s9 =	simm.s32 $0x3  }
0x3: {  	s15 =	simm.s32 $0xB000;
	s16 =	simm.s32 $0xD000;
	s17 =	simm.s32 $0xF000  }
0x4: {  	s18 =	simm.s32 $0x11000;
	s19 =	simm.s32 $0x13000;
	s1 =	sand.u32 $0x1, s1  }
0x5: {  	s20 =	simm.s32 $0x1;
	s3 =	sshll.u32 s3, $0x6;
	s4 =	sshll.u32 s1, $0x5  }
0x6: {  	[smem:$0x7FF] =	sst s2;
	s1 =	ssub.s32 $0x2, s1;
	s3 =	sor.u32 s4, s3  }
0x7: {  	s7 =	sshrl.u32 s1, $0x1;
	s4 =	sshll.u32 s3, $0x4;
	s5 =	sshrl.u32 s3, $0x3  }
0x8: {  	s29 =	ssub.s32 s1, s7;
	s6 =	sadd.s32 s4, s0;
	s8 =	smul.u32 $0x18700, s5  }
0x9: {  	s4 =	sadd.s32 $0x5000, s0;
	s5 =	sadd.s32 $0xC41000, s0;
	s0 =	smax.u32 s29, $0x1  }
0xa: {  	_ =	strace $0x80000047;
	s30 =	sadd.s32 $0x1000, s6;
	[dreg:$0x4] =	wrdreg s0  }
0xb: {  	s21 =	simm.s32 $0x15000;
	[dreg:$0x2] =	wrdreg s30;
	s31 =	sadd.s32 s4, s8  }
0xc: {  	s22 =	simm.s32 $0x2;
	s1 =	simm.s32 $0x0;
	[dreg:$0x3] =	wrdreg s31  }
.LBB2_1:
0xd: {  	[dreg:$0x5] =	wrdreg s1  }
0xe: {  	s0 =	rddreg [dreg:$0x2]  }
0xf: {  	[tilespmem:s2], [sflag:$0x3] =	stream.linear.gather [hbm4b:s0+s2], $0x1000, $0x38;
	[tilespmem:$0x17000] =	vst v63  }
0x10: {  	_ =	swait.ge [sflag:s9], $0x1000  }
0x11: {  	[sflag:s9] =	ssyncset.done $0x0  }
0x12: {  	[sflag:s9] =	ssyncadd.s32 $0xFFFFF000  }
0x13: {  	v0 =	vld [tilespmem:$0x0];
	_ =	sdelay $0x4  }
0x14: {  	vm0 =	vgt.s32 v0, $0x0  }
0x15: {  	v0 =	vnsel vm0, $0x0, v0  }
0x16: {  	(v2sf) =	vpush v0, $0x0;
	_ =	sdelay $0x3  }
0x17: {  	(v2sf) =	vpush v0, $0x1;
	_ =	sdelay $0x4  }
0x18: {  	(v2sf) =	vpush v0, $0x2;
	_ =	sdelay $0x5  }
0x19: {  	s13 =	spop (v2sf)  }
0x1a: {  	(v2sf) =	vpush v0, $0x3;
	s0 =	smin.u32 s13, $0x61  }
0x1b: {  	s0 =	sshll.u32 s0, $0xA  }
0x1c: {  	s14 =	rddreg [dreg:$0x3];
	s0 =	smin.u32 s0, $0x18280  }
0x1d: {  	s6 =	simm.s32 $0x1000;
	s23 =	spop (v2sf);
	s0 =	sadd.s32 s0, s14  }
0x1e: {  	(v2sf) =	vpush v0, $0x4;
	[tilespmem:s6], [sflag:$0x1] =	stream.linear.gather [hbm4b:s0+s2], $0x2000, $0x38;
	[tilespmem:$0x17000] =	vst v63  }
0x1f: {  	s0 =	smin.u32 s23, $0x61  }
0x20: {  	s0 =	sshll.u32 s0, $0xA  }
0x21: {  	s0 =	smin.u32 s0, $0x18280  }
0x22: {  	s24 =	simm.s32 $0x3000;
	s25 =	spop (v2sf);
	s0 =	sadd.s32 s0, s14  }
0x23: {  	[tilespmem:s24], [sflag:$0x1] =	stream.linear.gather [hbm4b:s0+s2], $0x2000, $0x38;
	[tilespmem:$0x17000] =	vst v63  }
0x24: {  	s0 =	smin.u32 s25, $0x61  }
0x25: {  	s0 =	sshll.u32 s0, $0xA  }
0x26: {  	s0 =	smin.u32 s0, $0x18280  }
0x27: {  	s26 =	simm.s32 $0x5000;
	s0 =	sadd.s32 s0, s14  }
0x28: {  	[tilespmem:s26], [sflag:$0x1] =	stream.linear.gather [hbm4b:s0+s2], $0x2000, $0x38;
	[tilespmem:$0x17000] =	vst v63  }
0x29: {  	s28 =	spop (v2sf)  }
0x2a: {  	s0 =	smin.u32 s28, $0x61  }
0x2b: {  	s0 =	sshll.u32 s0, $0xA  }
0x2c: {  	s0 =	smin.u32 s0, $0x18280  }
0x2d: {  	s29 =	simm.s32 $0x7000;
	s30 =	spop (v2sf);
	s0 =	sadd.s32 s0, s14  }
0x2e: {  	[tilespmem:s29], [sflag:$0x1] =	stream.linear.gather [hbm4b:s0+s2], $0x2000, $0x38;
	[tilespmem:$0x17000] =	vst v63  }
0x2f: {  	s0 =	smin.u32 s30, $0x61  }
0x30: {  	s0 =	sshll.u32 s0, $0xA  }
0x31: {  	s0 =	smin.u32 s0, $0x18280  }
0x32: {  	s31 =	simm.s32 $0x9000;
	s24 =	simm.s32 $0x0;
	s0 =	sadd.s32 s0, s14  }
0x33: {  	[tilespmem:s31], [sflag:$0x1] =	stream.linear.gather [hbm4b:s0+s2], $0x2000, $0x38;
	[tilespmem:$0x17000] =	vst v63  }
.LBB2_2:
0x34: {  	s0 =	sshllo.u32 s24, $0x1  }
0x35: {  	s25 =	sshll.u32 s0, $0x7  }
0x36: {  	s1 =	sand.u32 $0x3FFFFF80, s25  }
0x37: {  	v0 =	vld [tilespmem:s1+$0x0];
	_ =	sdelay $0x4  }
0x38: {  	vm0 =	vgt.s32 v0, $0x0  }
0x39: {  	v0 =	vnsel vm0, $0x0, v0  }
0x3a: {  	(v2sf) =	vpush v0, $0x0;
	_ =	sdelay $0x3  }
0x3b: {  	(v2sf) =	vpush v0, $0x1;
	_ =	sdelay $0x3  }
0x3c: {  	(v2sf) =	vpush v0, $0x2;
	_ =	sdelay $0x5  }
0x3d: {  	s26 =	sor.u32 s3, s0  }
0x3e: {  	s28 =	sshrl.u32 s26, $0x3;
	s6 =	spop (v2sf);
	(v2sf) =	vpush v0, $0x3  }
0x3f: {  	s7 =	smul.u32 $0x18700, s28;
	s0 =	smin.u32 s6, $0x61  }
0x40: {  	s0 =	sshll.u32 s0, $0xA  }
0x41: {  	s1 =	sadd.s32 s4, s7;
	s0 =	smin.u32 s0, $0x18280  }
0x42: {  	s6 =	simm.s32 $0x0;
	s8 =	spop (v2sf);
	(v2sf) =	vpush v0, $0x4;
	s0 =	sadd.s32 s0, s1  }
0x43: {  	[tilespmem:s15], [sflag:$0x2] =	stream.linear.gather [hbm4b:s0+s6], $0x2000, $0x38;
	[tilespmem:$0x17000] =	vst v63  }
0x44: {  	s0 =	smin.u32 s8, $0x61  }
0x45: {  	s0 =	sshll.u32 s0, $0xA  }
0x46: {  	s8 =	spop (v2sf);
	s0 =	smin.u32 s0, $0x18280  }
0x47: {  	s10 =	smin.u32 s8, $0x61;
	s0 =	sadd.s32 s0, s1  }
0x48: {  	[tilespmem:s16], [sflag:$0x2] =	stream.linear.gather [hbm4b:s0+s6], $0x2000, $0x38;
	[tilespmem:$0x17000] =	vst v63  }
0x49: {  	s0 =	sshll.u32 s10, $0xA  }
0x4a: {  	s0 =	smin.u32 s0, $0x18280  }
0x4b: {  	s0 =	sadd.s32 s0, s1  }
0x4c: {  	[tilespmem:s17], [sflag:$0x2] =	stream.linear.gather [hbm4b:s0+s6], $0x2000, $0x38;
	[tilespmem:$0x17000] =	vst v63  }
0x4d: {  	s11 =	spop (v2sf)  }
0x4e: {  	s12 =	smin.u32 s11, $0x61  }
0x4f: {  	s0 =	sshll.u32 s12, $0xA  }
0x50: {  	s0 =	smin.u32 s0, $0x18280  }
0x51: {  	s13 =	spop (v2sf);
	s0 =	sadd.s32 s0, s1  }
0x52: {  	[tilespmem:s18], [sflag:$0x2] =	stream.linear.gather [hbm4b:s0+s6], $0x2000, $0x38;
	[tilespmem:$0x17000] =	vst v63  }
0x53: {  	s0 =	smin.u32 s13, $0x61  }
0x54: {  	s0 =	sshll.u32 s0, $0xA  }
0x55: {  	s0 =	smin.u32 s0, $0x18280  }
0x56: {  	s0 =	sadd.s32 s0, s1  }
0x57: {  	[tilespmem:s19], [sflag:$0x2] =	stream.linear.gather [hbm4b:s0+s6], $0x2000, $0x38;
	[tilespmem:$0x17000] =	vst v63  }
0x58: {  	_ =	swait.ge [sflag:s20], $0x2000  }
0x59: {  	[sflag:s20] =	ssyncset.done $0x0  }
0x5a: {  	[sflag:s20] =	ssyncadd.s32 $0xFFFFE000  }
0x5b: {  	_ =	swait.ge [sflag:s20], $0x2000  }
0x5c: {  	[sflag:s20] =	ssyncset.done $0x0  }
0x5d: {  	[sflag:s20] =	ssyncadd.s32 $0xFFFFE000  }
0x5e: {  	s29 =	sshll.u32 s24, $0x1;
	s14 =	sand.u32 $0x3, s24;
	_ =	swait.ge [sflag:s20], $0x2000  }
0x5f: {  	s23 =	sshll.u32 s24, $0x8;
	s30 =	sor.u32 s3, s29;
	[sflag:s20] =	ssyncset.done $0x0  }
0x60: {  	p0 =	seq.s32 s30, $0x0;
	s1 =	simm.s32 $0x2000;
	[sflag:s20] =	ssyncadd.s32 $0xFFFFE000  }
0x61: {  	p1 =	sne.s32 s14, $0x0;
	s1 =	simm.s32 @!p0 $0x0;
	_ =	swait.ge [sflag:s20], $0x2000  }
0x62: {  	s0 =	sand.u32 $0x300, s23;
	s1 =	simm.s32 @!p1 $0x0;
	[sflag:s20] =	ssyncset.done $0x0  }
0x63: {  	s7 =	sor.u32 s0, s1;
	[sflag:s20] =	ssyncadd.s32 $0xFFFFE000  }
0x64: {  	s12 =	sand.u32 $0x1C00, s6;
	s31 =	sor.u32 $0x1000, s7;
	_ =	swait.ge [sflag:s20], $0x2000  }
0x65: {  	s6 =	sand.u32 $0x70, s6;
	s13 =	sadd.s32 s12, s31;
	[sflag:s20] =	ssyncset.done $0x0  }
0x66: {  	s0 =	sadd.s32 s6, s13;
	[sflag:s20] =	ssyncadd.s32 $0xFFFFE000  }
0x67: {  	v0 =	vld [tilespmem:s0+$0x0];
	_ =	sdelay $0x2  }
0x68: {  	s0 =	sadd.s32 $0x3000, s7  }
0x69: {  	s10 =	sor.u32 s6, s12;
	s14 =	sadd.s32 s12, s0  }
0x6a: {  	s1 =	sadd.s32 s6, s14;
	[tilespmem:s10+$0x15000] =	vst v0  }
0x6b: {  	v0 =	vld [tilespmem:s1+$0x0];
	_ =	sdelay $0x2  }
0x6c: {  	s1 =	sor.u32 $0x5000, s7  }
0x6d: {  	s14 =	sadd.s32 $0x15000, s10;
	s23 =	sadd.s32 s12, s1  }
0x6e: {  	s10 =	sadd.s32 s6, s23;
	[tilespmem:s14+$0x80] =	vst v0  }
0x6f: {  	v0 =	vld [tilespmem:s10+$0x0];
	_ =	sdelay $0x2  }
0x70: {  	s10 =	sadd.s32 $0x7000, s7  }
0x71: {  	s11 =	sadd.s32 s12, s10  }
0x72: {  	s11 =	sadd.s32 s6, s11;
	[tilespmem:s14+$0x100] =	vst v0  }
0x73: {  	v0 =	vld [tilespmem:s11+$0x0];
	_ =	sdelay $0x2  }
0x74: {  	s11 =	sor.u32 $0x9000, s7  }
0x75: {  	s8 =	sadd.s32 s12, s11  }
0x76: {  	s6 =	sadd.s32 s6, s8;
	[tilespmem:s14+$0x180] =	vst v0  }
0x77: {  	v0 =	vld [tilespmem:s6+$0x0];
	_ =	sdelay $0x1  }
0x78: {  	s13 =	simm.s32 $0x80  }
0x79: {  	s12 =	sand.u32 $0x1C00, s13;
	s8 =	simm.s32 $0x10;
	s6 =	simm.s32 $0x20  }
.LBB2_3:
0x7a: {  	p0 =	sne.s32 s6, $0x3F0;
	s7 =	sand.u32 $0x70, s8;
	s8 =	sadd.s32 s12, s31  }
0x7b: {  	s23 =	sadd.s32 s7, s8;
	[tilespmem:s14+$0x200] =	vst v0;
	s8 =	smov.u32 s6  }
0x7c: {  	v0 =	vld [tilespmem:s23+$0x0];
	_ =	sdelay $0x3  }
0x7d: {  	s14 =	sor.u32 s7, s12;
	s23 =	sadd.s32 s12, s0  }
0x7e: {  	s23 =	sadd.s32 s7, s23;
	[tilespmem:s14+$0x15000] =	vst v0  }
0x7f: {  	v0 =	vld [tilespmem:s23+$0x0];
	_ =	sdelay $0x3  }
0x80: {  	s14 =	sadd.s32 $0x15000, s14;
	s23 =	sadd.s32 s12, s1  }
0x81: {  	s23 =	sadd.s32 s7, s23;
	[tilespmem:s14+$0x80] =	vst v0  }
0x82: {  	v0 =	vld [tilespmem:s23+$0x0];
	_ =	sdelay $0x3  }
0x83: {  	s23 =	sadd.s32 s12, s10  }
0x84: {  	s23 =	sadd.s32 s7, s23;
	[tilespmem:s14+$0x100] =	vst v0  }
0x85: {  	v0 =	vld [tilespmem:s23+$0x0];
	_ =	sdelay $0x3  }
0x86: {  	s12 =	sadd.s32 s12, s11  }
.Ltmp0:
0x87: {  	s7 =	sadd.s32 s7, s12;
	[tilespmem:s14+$0x180] =	vst v0;
	(pc) =	sbr.rel @p0 .LBB2_3-.Ltmp0, $3  }
0x88: {  	v0 =	vld [tilespmem:s7+$0x0];
	_ =	sdelay $0x1  }
0x89: {  	s13 =	sadd.s32 $0x80, s13  }
0x8a: {  	s6 =	sadd.s32 $0x10, s6;
	s12 =	sand.u32 $0x1C00, s13  }
0x8b: {  	s6 =	sand.u32 $0x70, s8;
	s7 =	sadd.s32 s12, s31  }
0x8c: {  	s7 =	sadd.s32 s6, s7;
	[tilespmem:s14+$0x200] =	vst v0  }
0x8d: {  	v0 =	vld [tilespmem:s7+$0x0];
	_ =	sdelay $0x3  }
0x8e: {  	s0 =	sadd.s32 s12, s0;
	s8 =	sor.u32 s6, s12  }
0x8f: {  	s0 =	sadd.s32 s6, s0;
	[tilespmem:s8+$0x15000] =	vst v0  }
0x90: {  	v0 =	vld [tilespmem:s0+$0x0];
	_ =	sdelay $0x3  }
0x91: {  	s1 =	sadd.s32 s12, s1;
	s13 =	sadd.s32 $0x15000, s8  }
0x92: {  	s1 =	sadd.s32 s6, s1;
	[tilespmem:s13+$0x80] =	vst v0  }
0x93: {  	v0 =	vld [tilespmem:s1+$0x0];
	_ =	sdelay $0x3  }
0x94: {  	s14 =	sadd.s32 s12, s10  }
0x95: {  	s1 =	sadd.s32 s6, s14;
	[tilespmem:s13+$0x100] =	vst v0  }
0x96: {  	v0 =	vld [tilespmem:s1+$0x0];
	_ =	sdelay $0x3  }
0x97: {  	s23 =	sadd.s32 s12, s11  }
0x98: {  	s1 =	sadd.s32 s6, s23;
	[tilespmem:s13+$0x180] =	vst v0  }
0x99: {  	v0 =	vld [tilespmem:s1+$0x0];
	_ =	sdelay $0x3  }
0x9a: {  	s31 =	sshll.u32 s30, $0xA  }
0x9b: {  	p0 =	seq.s32 s24, $0xF;
	s1 =	sadd.s32 s5, s31;
	[tilespmem:s13+$0x200] =	vst v0  }
0x9c: {  	[hbm4b:s1+s2] =	stream.linear.scatter [tilespmem:s21], [sflag:$0x3], $0x2000, $0x38;
	[tilespmem:$0x17000] =	vst v63  }
0x9d: {  	s0 =	sadd.s32 @!p0 $0x2, s29;
	_ =	swait.ge [sflag:s9], $0x2000  }
0x9e: {  	s1 =	sshll.u32 @!p0 s0, $0x7;
	[sflag:s9] =	ssyncset.done $0x0  }
0x9f: {  	s1 =	sand.u32 @!p0 $0x3FFFFF80, s1;
	[sflag:s9] =	ssyncadd.s32 $0xFFFFE000  }
0xa0: {  	v0 =	vld @!p0 [tilespmem:s1+$0x0];
	_ =	sdelay $0x4  }
0xa1: {  	vm0 =	vgt.s32 @!p0 v0, $0x0  }
0xa2: {  	v0 =	vnsel @!p0 vm0, $0x0, v0  }
0xa3: {  	(v2sf) =	vpush @!p0 v0, $0x0;
	_ =	sdelay $0x5  }
0xa4: {  	(v2sf) =	vpush @!p0 v0, $0x1;
	_ =	sdelay $0x3  }
0xa5: {  	(v2sf) =	vpush @!p0 v0, $0x2;
	_ =	sdelay $0x3  }
0xa6: {  	s0 =	sadd.s32 @!p0 s3, s0  }
0xa7: {  	s0 =	sshrl.u32 @!p0 s0, $0x3;
	s1 =	spop @!p0 (v2sf)  }
0xa8: {  	s0 =	smul.u32 @!p0 $0x18700, s0;
	s1 =	smin.u32 @!p0 s1, $0x61  }
0xa9: {  	(v2sf) =	vpush @!p0 v0, $0x3;
	s1 =	sshll.u32 @!p0 s1, $0xA  }
0xaa: {  	s0 =	sadd.s32 @!p0 s4, s0;
	s1 =	smin.u32 @!p0 s1, $0x18280  }
0xab: {  	s7 =	simm.s32 @!p0 $0x1000;
	s6 =	simm.s32 @!p0 $0x0;
	s1 =	sadd.s32 @!p0 s1, s0  }
0xac: {  	[tilespmem:s7], [sflag:$0x1] =	stream.linear.gather @!p0 [hbm4b:s1+s6], $0x2000, $0x38;
	[tilespmem:$0x17000] =	vst v63  }
0xad: {  	s1 =	spop @!p0 (v2sf)  }
0xae: {  	s1 =	smin.u32 @!p0 s1, $0x61  }
0xaf: {  	(v2sf) =	vpush @!p0 v0, $0x4;
	s1 =	sshll.u32 @!p0 s1, $0xA  }
0xb0: {  	s1 =	smin.u32 @!p0 s1, $0x18280  }
0xb1: {  	s8 =	simm.s32 @!p0 $0x3000;
	s7 =	spop @!p0 (v2sf);
	s1 =	sadd.s32 @!p0 s1, s0  }
0xb2: {  	[tilespmem:s8], [sflag:$0x1] =	stream.linear.gather @!p0 [hbm4b:s1+s6], $0x2000, $0x38;
	[tilespmem:$0x17000] =	vst v63  }
0xb3: {  	s1 =	smin.u32 @!p0 s7, $0x61  }
0xb4: {  	s1 =	sshll.u32 @!p0 s1, $0xA  }
0xb5: {  	s1 =	smin.u32 @!p0 s1, $0x18280  }
0xb6: {  	s8 =	simm.s32 @!p0 $0x5000;
	s1 =	sadd.s32 @!p0 s1, s0  }
0xb7: {  	[tilespmem:s8], [sflag:$0x1] =	stream.linear.gather @!p0 [hbm4b:s1+s6], $0x2000, $0x38;
	[tilespmem:$0x17000] =	vst v63  }
0xb8: {  	s7 =	spop @!p0 (v2sf)  }
0xb9: {  	s1 =	smin.u32 @!p0 s7, $0x61  }
0xba: {  	s1 =	sshll.u32 @!p0 s1, $0xA  }
0xbb: {  	s1 =	smin.u32 @!p0 s1, $0x18280  }
0xbc: {  	s7 =	simm.s32 @!p0 $0x7000;
	s1 =	sadd.s32 @!p0 s1, s0  }
0xbd: {  	[tilespmem:s7], [sflag:$0x1] =	stream.linear.gather @!p0 [hbm4b:s1+s6], $0x2000, $0x38;
	[tilespmem:$0x17000] =	vst v63  }
0xbe: {  	s1 =	spop @!p0 (v2sf)  }
0xbf: {  	s1 =	smin.u32 @!p0 s1, $0x61  }
0xc0: {  	s1 =	sshll.u32 @!p0 s1, $0xA  }
0xc1: {  	s1 =	smin.u32 @!p0 s1, $0x18280  }
0xc2: {  	s0 =	sadd.s32 @!p0 s1, s0;
	s1 =	simm.s32 @!p0 $0x9000  }
0xc3: {  	[tilespmem:s1], [sflag:$0x1] =	stream.linear.gather @!p0 [hbm4b:s0+s6], $0x2000, $0x38;
	[tilespmem:$0x17000] =	vst v63  }
0xc4: {  	_ =	swait.ge [sflag:s22], $0x2000  }
0xc5: {  	[sflag:s22] =	ssyncset.done $0x0  }
0xc6: {  	[sflag:s22] =	ssyncadd.s32 $0xFFFFE000  }
0xc7: {  	_ =	swait.ge [sflag:s22], $0x2000  }
0xc8: {  	[sflag:s22] =	ssyncset.done $0x0  }
0xc9: {  	[sflag:s22] =	ssyncadd.s32 $0xFFFFE000  }
0xca: {  	_ =	swait.ge [sflag:s22], $0x2000  }
0xcb: {  	[sflag:s22] =	ssyncset.done $0x0  }
0xcc: {  	s26 =	sshll.u32 s26, $0xA;
	s6 =	sshll.u32 s28, $0xD;
	[sflag:s22] =	ssyncadd.s32 $0xFFFFE000  }
0xcd: {  	s0 =	ssub.s32 s26, s6;
	_ =	swait.ge [sflag:s22], $0x2000  }
0xce: {  	s7 =	sand.u32 $0x380, s25;
	s0 =	sand.u32 $0xFFFFE000, s0;
	[sflag:s22] =	ssyncset.done $0x0  }
0xcf: {  	s11 =	simm.s32 $0x0;
	s8 =	sor.u32 s7, s0;
	[sflag:s22] =	ssyncadd.s32 $0xFFFFE000  }
0xd0: {  	s12 =	sand.u32 $0x1C00, s11;
	s25 =	sadd.s32 $0xB000, s8;
	_ =	swait.ge [sflag:s22], $0x2000  }
0xd1: {  	s13 =	sand.u32 $0x70, s11;
	s23 =	sadd.s32 s12, s25;
	[sflag:s22] =	ssyncset.done $0x0  }
0xd2: {  	s0 =	sadd.s32 s13, s23;
	[sflag:s22] =	ssyncadd.s32 $0xFFFFE000  }
0xd3: {  	v0 =	vld [tilespmem:s0+$0x0];
	_ =	sdelay $0x2  }
0xd4: {  	s0 =	sadd.s32 $0xD000, s8  }
0xd5: {  	s28 =	sor.u32 s13, s12;
	s29 =	sadd.s32 s12, s0  }
0xd6: {  	s1 =	sadd.s32 s13, s29;
	[tilespmem:s28+$0x15000] =	vst v0  }
0xd7: {  	v0 =	vld [tilespmem:s1+$0x0];
	_ =	sdelay $0x2  }
0xd8: {  	s1 =	sadd.s32 $0xF000, s8  }
0xd9: {  	s14 =	sadd.s32 $0x15000, s28;
	s30 =	sadd.s32 s12, s1  }
0xda: {  	s10 =	sadd.s32 s13, s30;
	[tilespmem:s14+$0x80] =	vst v0  }
0xdb: {  	v0 =	vld [tilespmem:s10+$0x0];
	_ =	sdelay $0x2  }
0xdc: {  	s10 =	sadd.s32 $0x11000, s8  }
0xdd: {  	s31 =	sadd.s32 s12, s10  }
0xde: {  	s11 =	sadd.s32 s13, s31;
	[tilespmem:s14+$0x100] =	vst v0  }
0xdf: {  	v0 =	vld [tilespmem:s11+$0x0];
	_ =	sdelay $0x2  }
0xe0: {  	s11 =	sadd.s32 $0x13000, s8  }
0xe1: {  	s6 =	sadd.s32 s12, s11  }
0xe2: {  	s6 =	sadd.s32 s13, s6;
	[tilespmem:s14+$0x180] =	vst v0  }
0xe3: {  	v0 =	vld [tilespmem:s6+$0x0];
	_ =	sdelay $0x1  }
0xe4: {  	s13 =	simm.s32 $0x80  }
0xe5: {  	s8 =	simm.s32 $0x10;
	s12 =	sand.u32 $0x1C00, s13;
	s6 =	simm.s32 $0x20  }
.LBB2_5:
0xe6: {  	p0 =	sne.s32 s6, $0x3F0;
	s7 =	sand.u32 $0x70, s8;
	s8 =	sadd.s32 s12, s25  }
0xe7: {  	s23 =	sadd.s32 s7, s8;
	[tilespmem:s14+$0x200] =	vst v0;
	s8 =	smov.u32 s6  }
0xe8: {  	v0 =	vld [tilespmem:s23+$0x0];
	_ =	sdelay $0x3  }
0xe9: {  	s14 =	sor.u32 s7, s12;
	s23 =	sadd.s32 s12, s0  }
0xea: {  	s23 =	sadd.s32 s7, s23;
	[tilespmem:s14+$0x15000] =	vst v0  }
0xeb: {  	v0 =	vld [tilespmem:s23+$0x0];
	_ =	sdelay $0x3  }
0xec: {  	s14 =	sadd.s32 $0x15000, s14;
	s23 =	sadd.s32 s12, s1  }
0xed: {  	s23 =	sadd.s32 s7, s23;
	[tilespmem:s14+$0x80] =	vst v0  }
0xee: {  	v0 =	vld [tilespmem:s23+$0x0];
	_ =	sdelay $0x3  }
0xef: {  	s23 =	sadd.s32 s12, s10  }
0xf0: {  	s23 =	sadd.s32 s7, s23;
	[tilespmem:s14+$0x100] =	vst v0  }
0xf1: {  	v0 =	vld [tilespmem:s23+$0x0];
	_ =	sdelay $0x3  }
0xf2: {  	s12 =	sadd.s32 s12, s11  }
.Ltmp1:
0xf3: {  	s7 =	sadd.s32 s7, s12;
	[tilespmem:s14+$0x180] =	vst v0;
	(pc) =	sbr.rel @p0 .LBB2_5-.Ltmp1, $3  }
0xf4: {  	v0 =	vld [tilespmem:s7+$0x0];
	_ =	sdelay $0x1  }
0xf5: {  	s13 =	sadd.s32 $0x80, s13  }
0xf6: {  	s6 =	sadd.s32 $0x10, s6;
	s12 =	sand.u32 $0x1C00, s13  }
0xf7: {  	s6 =	sand.u32 $0x70, s8;
	s7 =	sadd.s32 s12, s25  }
0xf8: {  	s7 =	sadd.s32 s6, s7;
	[tilespmem:s14+$0x200] =	vst v0  }
0xf9: {  	v0 =	vld [tilespmem:s7+$0x0];
	_ =	sdelay $0x3  }
0xfa: {  	s0 =	sadd.s32 s12, s0;
	s25 =	sor.u32 s6, s12  }
0xfb: {  	s0 =	sadd.s32 s6, s0;
	[tilespmem:s25+$0x15000] =	vst v0  }
0xfc: {  	v0 =	vld [tilespmem:s0+$0x0];
	_ =	sdelay $0x3  }
0xfd: {  	s1 =	sadd.s32 s12, s1;
	s28 =	sadd.s32 $0x15000, s25  }
0xfe: {  	s1 =	sadd.s32 s6, s1;
	[tilespmem:s28+$0x80] =	vst v0  }
0xff: {  	v0 =	vld [tilespmem:s1+$0x0];
	_ =	sdelay $0x3  }
0x100: {  	s29 =	sadd.s32 s12, s10  }
0x101: {  	s1 =	sadd.s32 s6, s29;
	[tilespmem:s28+$0x100] =	vst v0  }
0x102: {  	v0 =	vld [tilespmem:s1+$0x0];
	_ =	sdelay $0x3  }
0x103: {  	s30 =	sadd.s32 s12, s11  }
0x104: {  	s1 =	sadd.s32 s6, s30;
	[tilespmem:s28+$0x180] =	vst v0  }
0x105: {  	v0 =	vld [tilespmem:s1+$0x0];
	_ =	sdelay $0x2  }
0x106: {  	s24 =	sadd.s32 $0x1, s24  }
0x107: {  	p0 =	sne.s32 s24, $0x10  }
.Ltmp2:
0x108: {  	s31 =	sadd.s32 s5, s26;
	[tilespmem:s28+$0x200] =	vst v0;
	(pc) =	sbr.rel @p0 .LBB2_2-.Ltmp2, $4  }
0x109: {  	[hbm4b:s31+s2] =	stream.linear.scatter [tilespmem:s21], [sflag:$0x3], $0x2000, $0x38;
	[tilespmem:$0x17000] =	vst v63  }
0x10a: {  	_ =	swait.ge [sflag:s9], $0x2000  }
0x10b: {  	[sflag:s9] =	ssyncset.done $0x0  }
0x10c: {  	[sflag:s9] =	ssyncadd.s32 $0xFFFFE000  }
0x10d: {  	s1 =	rddreg [dreg:$0x5]  }
0x10e: {  	s0 =	rddreg [dreg:$0x4];
	s1 =	sadd.s32 $0x1, s1  }
0x10f: {  	p0 =	sne.s32 s1, s0  }
.Ltmp3:
0x110: {  	_ = 	snop;
	(pc) =	sbr.rel @p0 .LBB2_1-.Ltmp3, $1  }
0x111: {  	_ =	sdelay $0x3  }
0x112: {  	_ =	sfence.sel $0x180000  }
0x113: {  	[bflag:$0x0] =	sbarrier.arrive $0xFFFF  }
0x114: {  	_ =	strace $0x90000047  }
0x115: {  	s0 =	stileid.u32;
	[bflag:$0x2] =	sbarrier.arrive $0xFFFF  }
0x116: {  	p0 =	sne.s32 s0, $0x0;
	s0 =	rddreg [dreg:$0x1]  }
0x117: {  	s0 =	sadd.s32 @!p0 $0x100000, s0  }
0x118: {  	[sflag:s0] =	ssyncadd.tile.s32 @!p0 $0x1;
	_ =	shalt  }
.Lfunc_end2:
_tile_overlayer_lowered:
.L_overlay_start_2:
0x119: {  	(tag) =	ssettag $0x2  }
0x11a: {  	s0 =	rddreg [dreg:$0x0];
	s2 =	stileid.u32  }
0x11b: {  	s1 =	rddreg [dreg:$0x1];
	p0 =	sne.s32 s2, $0x0  }
0x11c: {  	s3 =	rddreg [dreg:$0x2];
	[bflag:$0x3] =	sbarrier.arrive $0xFFFF;
	s2 =	simm.s32 @!p0 $0x1C03  }
0x11d: {  	[timem:s3], [sflag:s2] =	dma.local @!p0 [hbm:s0], s1  }
0x11e: {  	s0 =	simm.s32 @!p0 $0x3  }
0x11f: {  	_ =	swait.ge @!p0 [sflag:s0], s1  }
0x120: {  	s1 =	ssub.s32 @!p0 $0x0, s1;
	[sflag:s0] =	ssyncset.done @!p0 $0x0  }
0x121: {  	[sflag:s0] =	ssyncadd.s32 @!p0 s1  }
0x122: {  	[bflag:$0x3] =	sbarrier.arrive $0xFFFF  }
0x123: {  	_ =	shalt  }

</sc_bundles>
